<compile_context>
chip_gen: v7x
topology: tpu7x:2x2x1
jax: 0.10.2.dev20260603
libtpu: 0.0.44.dev20260713+nightly
codegen_flags: <defaults>
</compile_context>

<pallas_src>
import functools

import jax
import jax.numpy as jnp
from jax import lax
from jax.experimental import pallas as pl
from jax.experimental.pallas import tpu as pltpu
from jax.experimental.pallas import tpu_sc as plsc

_NC = 2
_NS = 16
_NW = _NC * _NS
_CH = 128
_WAVE = 16


def kernel(user_ids, table):
    B = user_ids.shape[0]
    V, D = table.shape
    b_per_w = B // _NW
    elems_w = D * b_per_w
    n_waves = elems_w // (_WAVE * _CH)

    zero = (user_ids[0] & 0).astype(jnp.float32)
    table_flat = table.T.reshape(-1) + zero

    uids = user_ids.astype(jnp.int32).reshape(_NW, 1, b_per_w)
    feat = (jnp.arange(D, dtype=jnp.int32) * V).reshape(1, D, 1)
    abs_ids = (uids + feat).reshape(_NW, elems_w)

    mesh = plsc.VectorSubcoreMesh(core_axis_name="c", subcore_axis_name="s")

    @functools.partial(
        pl.kernel,
        out_type=jax.ShapeDtypeStruct((D * B,), jnp.float32),
        mesh=mesh,
        scratch_types=[
            pltpu.VMEM((elems_w,), jnp.int32),
            pltpu.VMEM((elems_w,), jnp.float32),
            pltpu.SemaphoreType.DMA,
            pltpu.SemaphoreType.DMA,
        ],
    )
    def gather_kernel(ids_hbm, table_hbm, out_hbm, idx_v, acc_v, gsem, wsem):
        wid = lax.axis_index("s") * _NC + lax.axis_index("c")
        pltpu.sync_copy(ids_hbm.at[wid], idx_v)

        def wave(w, _):
            base = pl.multiple_of(w * (_WAVE * _CH), _WAVE * _CH)
            copies = []
            for k in range(_WAVE):
                off = pl.multiple_of(base + k * _CH, _CH)
                copies.append(
                    pltpu.async_copy(
                        table_hbm.at[idx_v.at[pl.ds(off, _CH)]],
                        acc_v.at[pl.ds(off, _CH)],
                        gsem,
                    )
                )
            for c in copies:
                c.wait()
            return 0

        lax.fori_loop(0, n_waves, wave, 0)

        def writeback(i, _):
            copies = []
            for k in range(4):
                f = i * 4 + k
                src = pl.multiple_of(f * b_per_w, b_per_w)
                dst = pl.multiple_of(f * B + wid * b_per_w, b_per_w)
                copies.append(
                    pltpu.async_copy(
                        acc_v.at[pl.ds(src, b_per_w)],
                        out_hbm.at[pl.ds(dst, b_per_w)],
                        wsem,
                    )
                )
            for c in copies:
                c.wait()
            return 0

        lax.fori_loop(0, D // 4, writeback, 0)

    out_flat = gather_kernel(abs_ids, table_flat)
    return out_flat.reshape(D, B).T

# --- scband reference (transcript-rebuilt; emitter-appended) ---
"""Pipeline reference for scband-user-embeddings-6828998000678 (READ-ONLY COPY).

The authoritative reference and input builder live on the scoring server;
editing this copy changes nothing except your own understanding.
"""

import jax, jax.numpy as jnp
import numpy as np

def setup_inputs(seed: int = 0) -> dict:
    key = jax.random.key(seed)
    k1, k2 = jax.random.split(key)
    user_ids = jax.random.randint(k1, (16384,), 0, 1000000, dtype=jnp.int64 if jax.config.jax_enable_x64 else jnp.int32)
    table = jax.random.normal(k2, (1000000, 32), dtype=jnp.float32)
    return {"user_ids": user_ids, "table": table}

def reference(user_ids, table):
    # Embedding lookup: gather rows of the table by user_ids
    return jnp.take(table, user_ids, axis=0)

if __name__ == "__main__":
    import jax
    _d = setup_inputs()
    print(jax.jit(kernel)(*tuple(_d.values())))

</pallas_src>

<mosaic_0001>
#map = affine_map<(d0, d1) -> (0, 0)>
#map1 = affine_map<(d0, d1) -> (0)>
module attributes {stable_mosaic.version = 14 : i64} {
  func.func @gather_kernel(%arg0: i32, %arg1: i32, %arg2: memref<32x16384xi32, #tpu.memory_space<hbm>>, %arg3: memref<32000000xf32, #tpu.memory_space<hbm>>, %arg4: memref<524288xf32, #tpu.memory_space<hbm>>, %arg5: memref<16384xi32, #tpu.memory_space<vmem>>, %arg6: memref<16384xf32, #tpu.memory_space<vmem>>, %arg7: memref<!tpu.dma_semaphore, #tpu.memory_space<semaphore_mem>>, %arg8: memref<!tpu.dma_semaphore, #tpu.memory_space<semaphore_mem>>) attributes {dimension_semantics = [#tpu.dimension_semantics<core_parallel>, #tpu.dimension_semantics<subcore_parallel>], iteration_bounds = array<i64: 2, 16>, scalar_prefetch = 0 : i64, scratch_operands = 4 : i64, tpu.core_type = #tpu.core_type<sc_vector_subcore>, window_params = [{transform_indices = #map}, {transform_indices = #map1}, {transform_indices = #map1}]} {
    %mul3A = arith.constant 2 : i32
    %mul3A_0 = arith.muli %arg1, %mul3A : i32
    %add3A = arith.addi %mul3A_0, %arg0 : i32
    "tpu.region"() ({
      %run_scoped3A = tpu.sem_alloc : memref<!tpu.dma_semaphore, #tpu.memory_space<semaphore_mem>>
      %dma_start3A = arith.constant 0 : i32
      %dma_start3A_14 = tpu.memref_slice %arg2[%add3A, %dma_start3A] : memref<32x16384xi32, #tpu.memory_space<hbm>> -> memref<1x16384xi32, #tpu.memory_space<hbm>>
      %dma_start3A_15 = tpu.memref_squeeze %dma_start3A_14 : memref<1x16384xi32, #tpu.memory_space<hbm>> -> memref<16384xi32, #tpu.memory_space<hbm>>
      %dma_start3A_16 = arith.constant 0 : i32
      %dma_start3A_17 = tpu.memref_slice %arg2[%add3A, %dma_start3A_16] : memref<32x16384xi32, #tpu.memory_space<hbm>> -> memref<1x16384xi32, #tpu.memory_space<hbm>>
      %dma_start3A_18 = tpu.memref_squeeze %dma_start3A_17 : memref<1x16384xi32, #tpu.memory_space<hbm>> -> memref<16384xi32, #tpu.memory_space<hbm>>
      tpu.enqueue_dma source(%dma_start3A_18 : memref<16384xi32, #tpu.memory_space<hbm>>) target(%arg5 : memref<16384xi32, #tpu.memory_space<vmem>>) target_semaphore(%run_scoped3A : memref<!tpu.dma_semaphore, #tpu.memory_space<semaphore_mem>>)
      %dma_wait3A = arith.constant 0 : i32
      %dma_wait3A_19 = tpu.memref_slice %arg2[%add3A, %dma_wait3A] : memref<32x16384xi32, #tpu.memory_space<hbm>> -> memref<1x16384xi32, #tpu.memory_space<hbm>>
      %dma_wait3A_20 = tpu.memref_squeeze %dma_wait3A_19 : memref<1x16384xi32, #tpu.memory_space<hbm>> -> memref<16384xi32, #tpu.memory_space<hbm>>
      %dma_wait3A_21 = arith.constant 0 : i32
      %dma_wait3A_22 = tpu.memref_slice %arg2[%add3A, %dma_wait3A_21] : memref<32x16384xi32, #tpu.memory_space<hbm>> -> memref<1x16384xi32, #tpu.memory_space<hbm>>
      %dma_wait3A_23 = tpu.memref_squeeze %dma_wait3A_22 : memref<1x16384xi32, #tpu.memory_space<hbm>> -> memref<16384xi32, #tpu.memory_space<hbm>>
      tpu.wait_dma2 semaphore(%run_scoped3A : memref<!tpu.dma_semaphore, #tpu.memory_space<semaphore_mem>>) src(%dma_wait3A_23 : memref<16384xi32, #tpu.memory_space<hbm>>) dst(%arg5 : memref<16384xi32, #tpu.memory_space<vmem>>)
      tpu.yield
    }) : () -> ()
    %scan3A = arith.constant 0 : i32
    %scan3A_1 = arith.constant 0 : i32
    %scan3A_2 = arith.constant 8 : i32
    %scan3A_3 = arith.addi %scan3A_1, %scan3A_2 : i32
    %scan3A_4 = arith.constant 1 : i32
    %scan3A_5 = scf.for %scan3A_14 = %scan3A_1 to %scan3A_3 step %scan3A_4 iter_args(%scan3A_15 = %scan3A) -> (i32)  : i32 {
      %mul3A_16 = arith.constant 2048 : i32
      %mul3A_17 = arith.muli %scan3A_14, %mul3A_16 : i32
      %multiple_of3A = tpu.assume_multiple %mul3A_17, 2048 : i32
      %add3A_18 = arith.constant 0 : i32
      %add3A_19 = arith.addi %multiple_of3A, %add3A_18 : i32
      %multiple_of3A_20 = tpu.assume_multiple %add3A_19, 128 : i32
      %dma_start3A = tpu.memref_slice %arg6[%multiple_of3A_20] : memref<16384xf32, #tpu.memory_space<vmem>> -> memref<128xf32, #tpu.memory_space<vmem>>
      %dma_start3A_21 = tpu.memref_slice %arg5[%multiple_of3A_20] : memref<16384xi32, #tpu.memory_space<vmem>> -> memref<128xi32, #tpu.memory_space<vmem>>
      %dma_start3A_22 = arith.constant 0 : i32
      %dma_start3A_23 = tpu.memref_slice %arg3[%dma_start3A_22] : memref<32000000xf32, #tpu.memory_space<hbm>> -> memref<32000000xf32, #tpu.memory_space<hbm>>
      tpu.enqueue_indirect_dma source(%dma_start3A_23 : memref<32000000xf32, #tpu.memory_space<hbm>>) target(%dma_start3A : memref<128xf32, #tpu.memory_space<vmem>>) offsets(%dma_start3A_21 : memref<128xi32, #tpu.memory_space<vmem>>) semaphore(%arg7 : memref<!tpu.dma_semaphore, #tpu.memory_space<semaphore_mem>>)
      %add3A_24 = arith.constant 128 : i32
      %add3A_25 = arith.addi %multiple_of3A, %add3A_24 : i32
      %multiple_of3A_26 = tpu.assume_multiple %add3A_25, 128 : i32
      %dma_start3A_27 = tpu.memref_slice %arg6[%multiple_of3A_26] : memref<16384xf32, #tpu.memory_space<vmem>> -> memref<128xf32, #tpu.memory_space<vmem>>
      %dma_start3A_28 = tpu.memref_slice %arg5[%multiple_of3A_26] : memref<16384xi32, #tpu.memory_space<vmem>> -> memref<128xi32, #tpu.memory_space<vmem>>
      %dma_start3A_29 = arith.constant 0 : i32
      %dma_start3A_30 = tpu.memref_slice %arg3[%dma_start3A_29] : memref<32000000xf32, #tpu.memory_space<hbm>> -> memref<32000000xf32, #tpu.memory_space<hbm>>
      tpu.enqueue_indirect_dma source(%dma_start3A_30 : memref<32000000xf32, #tpu.memory_space<hbm>>) target(%dma_start3A_27 : memref<128xf32, #tpu.memory_space<vmem>>) offsets(%dma_start3A_28 : memref<128xi32, #tpu.memory_space<vmem>>) semaphore(%arg7 : memref<!tpu.dma_semaphore, #tpu.memory_space<semaphore_mem>>)
      %add3A_31 = arith.constant 256 : i32
      %add3A_32 = arith.addi %multiple_of3A, %add3A_31 : i32
      %multiple_of3A_33 = tpu.assume_multiple %add3A_32, 128 : i32
      %dma_start3A_34 = tpu.memref_slice %arg6[%multiple_of3A_33] : memref<16384xf32, #tpu.memory_space<vmem>> -> memref<128xf32, #tpu.memory_space<vmem>>
      %dma_start3A_35 = tpu.memref_slice %arg5[%multiple_of3A_33] : memref<16384xi32, #tpu.memory_space<vmem>> -> memref<128xi32, #tpu.memory_space<vmem>>
      %dma_start3A_36 = arith.constant 0 : i32
      %dma_start3A_37 = tpu.memref_slice %arg3[%dma_start3A_36] : memref<32000000xf32, #tpu.memory_space<hbm>> -> memref<32000000xf32, #tpu.memory_space<hbm>>
      tpu.enqueue_indirect_dma source(%dma_start3A_37 : memref<32000000xf32, #tpu.memory_space<hbm>>) target(%dma_start3A_34 : memref<128xf32, #tpu.memory_space<vmem>>) offsets(%dma_start3A_35 : memref<128xi32, #tpu.memory_space<vmem>>) semaphore(%arg7 : memref<!tpu.dma_semaphore, #tpu.memory_space<semaphore_mem>>)
      %add3A_38 = arith.constant 384 : i32
      %add3A_39 = arith.addi %multiple_of3A, %add3A_38 : i32
      %multiple_of3A_40 = tpu.assume_multiple %add3A_39, 128 : i32
      %dma_start3A_41 = tpu.memref_slice %arg6[%multiple_of3A_40] : memref<16384xf32, #tpu.memory_space<vmem>> -> memref<128xf32, #tpu.memory_space<vmem>>
      %dma_start3A_42 = tpu.memref_slice %arg5[%multiple_of3A_40] : memref<16384xi32, #tpu.memory_space<vmem>> -> memref<128xi32, #tpu.memory_space<vmem>>
      %dma_start3A_43 = arith.constant 0 : i32
      %dma_start3A_44 = tpu.memref_slice %arg3[%dma_start3A_43] : memref<32000000xf32, #tpu.memory_space<hbm>> -> memref<32000000xf32, #tpu.memory_space<hbm>>
      tpu.enqueue_indirect_dma source(%dma_start3A_44 : memref<32000000xf32, #tpu.memory_space<hbm>>) target(%dma_start3A_41 : memref<128xf32, #tpu.memory_space<vmem>>) offsets(%dma_start3A_42 : memref<128xi32, #tpu.memory_space<vmem>>) semaphore(%arg7 : memref<!tpu.dma_semaphore, #tpu.memory_space<semaphore_mem>>)
      %add3A_45 = arith.constant 512 : i32
      %add3A_46 = arith.addi %multiple_of3A, %add3A_45 : i32
      %multiple_of3A_47 = tpu.assume_multiple %add3A_46, 128 : i32
      %dma_start3A_48 = tpu.memref_slice %arg6[%multiple_of3A_47] : memref<16384xf32, #tpu.memory_space<vmem>> -> memref<128xf32, #tpu.memory_space<vmem>>
      %dma_start3A_49 = tpu.memref_slice %arg5[%multiple_of3A_47] : memref<16384xi32, #tpu.memory_space<vmem>> -> memref<128xi32, #tpu.memory_space<vmem>>
      %dma_start3A_50 = arith.constant 0 : i32
      %dma_start3A_51 = tpu.memref_slice %arg3[%dma_start3A_50] : memref<32000000xf32, #tpu.memory_space<hbm>> -> memref<32000000xf32, #tpu.memory_space<hbm>>
      tpu.enqueue_indirect_dma source(%dma_start3A_51 : memref<32000000xf32, #tpu.memory_space<hbm>>) target(%dma_start3A_48 : memref<128xf32, #tpu.memory_space<vmem>>) offsets(%dma_start3A_49 : memref<128xi32, #tpu.memory_space<vmem>>) semaphore(%arg7 : memref<!tpu.dma_semaphore, #tpu.memory_space<semaphore_mem>>)
      %add3A_52 = arith.constant 640 : i32
      %add3A_53 = arith.addi %multiple_of3A, %add3A_52 : i32
      %multiple_of3A_54 = tpu.assume_multiple %add3A_53, 128 : i32
      %dma_start3A_55 = tpu.memref_slice %arg6[%multiple_of3A_54] : memref<16384xf32, #tpu.memory_space<vmem>> -> memref<128xf32, #tpu.memory_space<vmem>>
      %dma_start3A_56 = tpu.memref_slice %arg5[%multiple_of3A_54] : memref<16384xi32, #tpu.memory_space<vmem>> -> memref<128xi32, #tpu.memory_space<vmem>>
      %dma_start3A_57 = arith.constant 0 : i32
      %dma_start3A_58 = tpu.memref_slice %arg3[%dma_start3A_57] : memref<32000000xf32, #tpu.memory_space<hbm>> -> memref<32000000xf32, #tpu.memory_space<hbm>>
      tpu.enqueue_indirect_dma source(%dma_start3A_58 : memref<32000000xf32, #tpu.memory_space<hbm>>) target(%dma_start3A_55 : memref<128xf32, #tpu.memory_space<vmem>>) offsets(%dma_start3A_56 : memref<128xi32, #tpu.memory_space<vmem>>) semaphore(%arg7 : memref<!tpu.dma_semaphore, #tpu.memory_space<semaphore_mem>>)
      %add3A_59 = arith.constant 768 : i32
      %add3A_60 = arith.addi %multiple_of3A, %add3A_59 : i32
      %multiple_of3A_61 = tpu.assume_multiple %add3A_60, 128 : i32
      %dma_start3A_62 = tpu.memref_slice %arg6[%multiple_of3A_61] : memref<16384xf32, #tpu.memory_space<vmem>> -> memref<128xf32, #tpu.memory_space<vmem>>
      %dma_start3A_63 = tpu.memref_slice %arg5[%multiple_of3A_61] : memref<16384xi32, #tpu.memory_space<vmem>> -> memref<128xi32, #tpu.memory_space<vmem>>
      %dma_start3A_64 = arith.constant 0 : i32
      %dma_start3A_65 = tpu.memref_slice %arg3[%dma_start3A_64] : memref<32000000xf32, #tpu.memory_space<hbm>> -> memref<32000000xf32, #tpu.memory_space<hbm>>
      tpu.enqueue_indirect_dma source(%dma_start3A_65 : memref<32000000xf32, #tpu.memory_space<hbm>>) target(%dma_start3A_62 : memref<128xf32, #tpu.memory_space<vmem>>) offsets(%dma_start3A_63 : memref<128xi32, #tpu.memory_space<vmem>>) semaphore(%arg7 : memref<!tpu.dma_semaphore, #tpu.memory_space<semaphore_mem>>)
      %add3A_66 = arith.constant 896 : i32
      %add3A_67 = arith.addi %multiple_of3A, %add3A_66 : i32
      %multiple_of3A_68 = tpu.assume_multiple %add3A_67, 128 : i32
      %dma_start3A_69 = tpu.memref_slice %arg6[%multiple_of3A_68] : memref<16384xf32, #tpu.memory_space<vmem>> -> memref<128xf32, #tpu.memory_space<vmem>>
      %dma_start3A_70 = tpu.memref_slice %arg5[%multiple_of3A_68] : memref<16384xi32, #tpu.memory_space<vmem>> -> memref<128xi32, #tpu.memory_space<vmem>>
      %dma_start3A_71 = arith.constant 0 : i32
      %dma_start3A_72 = tpu.memref_slice %arg3[%dma_start3A_71] : memref<32000000xf32, #tpu.memory_space<hbm>> -> memref<32000000xf32, #tpu.memory_space<hbm>>
      tpu.enqueue_indirect_dma source(%dma_start3A_72 : memref<32000000xf32, #tpu.memory_space<hbm>>) target(%dma_start3A_69 : memref<128xf32, #tpu.memory_space<vmem>>) offsets(%dma_start3A_70 : memref<128xi32, #tpu.memory_space<vmem>>) semaphore(%arg7 : memref<!tpu.dma_semaphore, #tpu.memory_space<semaphore_mem>>)
      %add3A_73 = arith.constant 1024 : i32
      %add3A_74 = arith.addi %multiple_of3A, %add3A_73 : i32
      %multiple_of3A_75 = tpu.assume_multiple %add3A_74, 128 : i32
      %dma_start3A_76 = tpu.memref_slice %arg6[%multiple_of3A_75] : memref<16384xf32, #tpu.memory_space<vmem>> -> memref<128xf32, #tpu.memory_space<vmem>>
      %dma_start3A_77 = tpu.memref_slice %arg5[%multiple_of3A_75] : memref<16384xi32, #tpu.memory_space<vmem>> -> memref<128xi32, #tpu.memory_space<vmem>>
      %dma_start3A_78 = arith.constant 0 : i32
      %dma_start3A_79 = tpu.memref_slice %arg3[%dma_start3A_78] : memref<32000000xf32, #tpu.memory_space<hbm>> -> memref<32000000xf32, #tpu.memory_space<hbm>>
      tpu.enqueue_indirect_dma source(%dma_start3A_79 : memref<32000000xf32, #tpu.memory_space<hbm>>) target(%dma_start3A_76 : memref<128xf32, #tpu.memory_space<vmem>>) offsets(%dma_start3A_77 : memref<128xi32, #tpu.memory_space<vmem>>) semaphore(%arg7 : memref<!tpu.dma_semaphore, #tpu.memory_space<semaphore_mem>>)
      %add3A_80 = arith.constant 1152 : i32
      %add3A_81 = arith.addi %multiple_of3A, %add3A_80 : i32
      %multiple_of3A_82 = tpu.assume_multiple %add3A_81, 128 : i32
      %dma_start3A_83 = tpu.memref_slice %arg6[%multiple_of3A_82] : memref<16384xf32, #tpu.memory_space<vmem>> -> memref<128xf32, #tpu.memory_space<vmem>>
      %dma_start3A_84 = tpu.memref_slice %arg5[%multiple_of3A_82] : memref<16384xi32, #tpu.memory_space<vmem>> -> memref<128xi32, #tpu.memory_space<vmem>>
      %dma_start3A_85 = arith.constant 0 : i32
      %dma_start3A_86 = tpu.memref_slice %arg3[%dma_start3A_85] : memref<32000000xf32, #tpu.memory_space<hbm>> -> memref<32000000xf32, #tpu.memory_space<hbm>>
      tpu.enqueue_indirect_dma source(%dma_start3A_86 : memref<32000000xf32, #tpu.memory_space<hbm>>) target(%dma_start3A_83 : memref<128xf32, #tpu.memory_space<vmem>>) offsets(%dma_start3A_84 : memref<128xi32, #tpu.memory_space<vmem>>) semaphore(%arg7 : memref<!tpu.dma_semaphore, #tpu.memory_space<semaphore_mem>>)
      %add3A_87 = arith.constant 1280 : i32
      %add3A_88 = arith.addi %multiple_of3A, %add3A_87 : i32
      %multiple_of3A_89 = tpu.assume_multiple %add3A_88, 128 : i32
      %dma_start3A_90 = tpu.memref_slice %arg6[%multiple_of3A_89] : memref<16384xf32, #tpu.memory_space<vmem>> -> memref<128xf32, #tpu.memory_space<vmem>>
      %dma_start3A_91 = tpu.memref_slice %arg5[%multiple_of3A_89] : memref<16384xi32, #tpu.memory_space<vmem>> -> memref<128xi32, #tpu.memory_space<vmem>>
      %dma_start3A_92 = arith.constant 0 : i32
      %dma_start3A_93 = tpu.memref_slice %arg3[%dma_start3A_92] : memref<32000000xf32, #tpu.memory_space<hbm>> -> memref<32000000xf32, #tpu.memory_space<hbm>>
      tpu.enqueue_indirect_dma source(%dma_start3A_93 : memref<32000000xf32, #tpu.memory_space<hbm>>) target(%dma_start3A_90 : memref<128xf32, #tpu.memory_space<vmem>>) offsets(%dma_start3A_91 : memref<128xi32, #tpu.memory_space<vmem>>) semaphore(%arg7 : memref<!tpu.dma_semaphore, #tpu.memory_space<semaphore_mem>>)
      %add3A_94 = arith.constant 1408 : i32
      %add3A_95 = arith.addi %multiple_of3A, %add3A_94 : i32
      %multiple_of3A_96 = tpu.assume_multiple %add3A_95, 128 : i32
      %dma_start3A_97 = tpu.memref_slice %arg6[%multiple_of3A_96] : memref<16384xf32, #tpu.memory_space<vmem>> -> memref<128xf32, #tpu.memory_space<vmem>>
      %dma_start3A_98 = tpu.memref_slice %arg5[%multiple_of3A_96] : memref<16384xi32, #tpu.memory_space<vmem>> -> memref<128xi32, #tpu.memory_space<vmem>>
      %dma_start3A_99 = arith.constant 0 : i32
      %dma_start3A_100 = tpu.memref_slice %arg3[%dma_start3A_99] : memref<32000000xf32, #tpu.memory_space<hbm>> -> memref<32000000xf32, #tpu.memory_space<hbm>>
      tpu.enqueue_indirect_dma source(%dma_start3A_100 : memref<32000000xf32, #tpu.memory_space<hbm>>) target(%dma_start3A_97 : memref<128xf32, #tpu.memory_space<vmem>>) offsets(%dma_start3A_98 : memref<128xi32, #tpu.memory_space<vmem>>) semaphore(%arg7 : memref<!tpu.dma_semaphore, #tpu.memory_space<semaphore_mem>>)
      %add3A_101 = arith.constant 1536 : i32
      %add3A_102 = arith.addi %multiple_of3A, %add3A_101 : i32
      %multiple_of3A_103 = tpu.assume_multiple %add3A_102, 128 : i32
      %dma_start3A_104 = tpu.memref_slice %arg6[%multiple_of3A_103] : memref<16384xf32, #tpu.memory_space<vmem>> -> memref<128xf32, #tpu.memory_space<vmem>>
      %dma_start3A_105 = tpu.memref_slice %arg5[%multiple_of3A_103] : memref<16384xi32, #tpu.memory_space<vmem>> -> memref<128xi32, #tpu.memory_space<vmem>>
      %dma_start3A_106 = arith.constant 0 : i32
      %dma_start3A_107 = tpu.memref_slice %arg3[%dma_start3A_106] : memref<32000000xf32, #tpu.memory_space<hbm>> -> memref<32000000xf32, #tpu.memory_space<hbm>>
      tpu.enqueue_indirect_dma source(%dma_start3A_107 : memref<32000000xf32, #tpu.memory_space<hbm>>) target(%dma_start3A_104 : memref<128xf32, #tpu.memory_space<vmem>>) offsets(%dma_start3A_105 : memref<128xi32, #tpu.memory_space<vmem>>) semaphore(%arg7 : memref<!tpu.dma_semaphore, #tpu.memory_space<semaphore_mem>>)
      %add3A_108 = arith.constant 1664 : i32
      %add3A_109 = arith.addi %multiple_of3A, %add3A_108 : i32
      %multiple_of3A_110 = tpu.assume_multiple %add3A_109, 128 : i32
      %dma_start3A_111 = tpu.memref_slice %arg6[%multiple_of3A_110] : memref<16384xf32, #tpu.memory_space<vmem>> -> memref<128xf32, #tpu.memory_space<vmem>>
      %dma_start3A_112 = tpu.memref_slice %arg5[%multiple_of3A_110] : memref<16384xi32, #tpu.memory_space<vmem>> -> memref<128xi32, #tpu.memory_space<vmem>>
      %dma_start3A_113 = arith.constant 0 : i32
      %dma_start3A_114 = tpu.memref_slice %arg3[%dma_start3A_113] : memref<32000000xf32, #tpu.memory_space<hbm>> -> memref<32000000xf32, #tpu.memory_space<hbm>>
      tpu.enqueue_indirect_dma source(%dma_start3A_114 : memref<32000000xf32, #tpu.memory_space<hbm>>) target(%dma_start3A_111 : memref<128xf32, #tpu.memory_space<vmem>>) offsets(%dma_start3A_112 : memref<128xi32, #tpu.memory_space<vmem>>) semaphore(%arg7 : memref<!tpu.dma_semaphore, #tpu.memory_space<semaphore_mem>>)
      %add3A_115 = arith.constant 1792 : i32
      %add3A_116 = arith.addi %multiple_of3A, %add3A_115 : i32
      %multiple_of3A_117 = tpu.assume_multiple %add3A_116, 128 : i32
      %dma_start3A_118 = tpu.memref_slice %arg6[%multiple_of3A_117] : memref<16384xf32, #tpu.memory_space<vmem>> -> memref<128xf32, #tpu.memory_space<vmem>>
      %dma_start3A_119 = tpu.memref_slice %arg5[%multiple_of3A_117] : memref<16384xi32, #tpu.memory_space<vmem>> -> memref<128xi32, #tpu.memory_space<vmem>>
      %dma_start3A_120 = arith.constant 0 : i32
      %dma_start3A_121 = tpu.memref_slice %arg3[%dma_start3A_120] : memref<32000000xf32, #tpu.memory_space<hbm>> -> memref<32000000xf32, #tpu.memory_space<hbm>>
      tpu.enqueue_indirect_dma source(%dma_start3A_121 : memref<32000000xf32, #tpu.memory_space<hbm>>) target(%dma_start3A_118 : memref<128xf32, #tpu.memory_space<vmem>>) offsets(%dma_start3A_119 : memref<128xi32, #tpu.memory_space<vmem>>) semaphore(%arg7 : memref<!tpu.dma_semaphore, #tpu.memory_space<semaphore_mem>>)
      %add3A_122 = arith.constant 1920 : i32
      %add3A_123 = arith.addi %multiple_of3A, %add3A_122 : i32
      %multiple_of3A_124 = tpu.assume_multiple %add3A_123, 128 : i32
      %dma_start3A_125 = tpu.memref_slice %arg6[%multiple_of3A_124] : memref<16384xf32, #tpu.memory_space<vmem>> -> memref<128xf32, #tpu.memory_space<vmem>>
      %dma_start3A_126 = tpu.memref_slice %arg5[%multiple_of3A_124] : memref<16384xi32, #tpu.memory_space<vmem>> -> memref<128xi32, #tpu.memory_space<vmem>>
      %dma_start3A_127 = arith.constant 0 : i32
      %dma_start3A_128 = tpu.memref_slice %arg3[%dma_start3A_127] : memref<32000000xf32, #tpu.memory_space<hbm>> -> memref<32000000xf32, #tpu.memory_space<hbm>>
      tpu.enqueue_indirect_dma source(%dma_start3A_128 : memref<32000000xf32, #tpu.memory_space<hbm>>) target(%dma_start3A_125 : memref<128xf32, #tpu.memory_space<vmem>>) offsets(%dma_start3A_126 : memref<128xi32, #tpu.memory_space<vmem>>) semaphore(%arg7 : memref<!tpu.dma_semaphore, #tpu.memory_space<semaphore_mem>>)
      %dma_wait3A = tpu.memref_slice %arg6[%multiple_of3A_20] : memref<16384xf32, #tpu.memory_space<vmem>> -> memref<128xf32, #tpu.memory_space<vmem>>
      %dma_wait3A_129 = tpu.memref_slice %arg5[%multiple_of3A_20] : memref<16384xi32, #tpu.memory_space<vmem>> -> memref<128xi32, #tpu.memory_space<vmem>>
      %dma_wait3A_130 = arith.constant 0 : i32
      %dma_wait3A_131 = tpu.memref_slice %arg3[%dma_wait3A_130] : memref<32000000xf32, #tpu.memory_space<hbm>> -> memref<32000000xf32, #tpu.memory_space<hbm>>
      tpu.wait_indirect_dma semaphore(%arg7 : memref<!tpu.dma_semaphore, #tpu.memory_space<semaphore_mem>>) src(%dma_wait3A_131 : memref<32000000xf32, #tpu.memory_space<hbm>>) dst(%dma_wait3A : memref<128xf32, #tpu.memory_space<vmem>>)
      %dma_wait3A_132 = tpu.memref_slice %arg6[%multiple_of3A_26] : memref<16384xf32, #tpu.memory_space<vmem>> -> memref<128xf32, #tpu.memory_space<vmem>>
      %dma_wait3A_133 = tpu.memref_slice %arg5[%multiple_of3A_26] : memref<16384xi32, #tpu.memory_space<vmem>> -> memref<128xi32, #tpu.memory_space<vmem>>
      %dma_wait3A_134 = arith.constant 0 : i32
      %dma_wait3A_135 = tpu.memref_slice %arg3[%dma_wait3A_134] : memref<32000000xf32, #tpu.memory_space<hbm>> -> memref<32000000xf32, #tpu.memory_space<hbm>>
      tpu.wait_indirect_dma semaphore(%arg7 : memref<!tpu.dma_semaphore, #tpu.memory_space<semaphore_mem>>) src(%dma_wait3A_135 : memref<32000000xf32, #tpu.memory_space<hbm>>) dst(%dma_wait3A_132 : memref<128xf32, #tpu.memory_space<vmem>>)
      %dma_wait3A_136 = tpu.memref_slice %arg6[%multiple_of3A_33] : memref<16384xf32, #tpu.memory_space<vmem>> -> memref<128xf32, #tpu.memory_space<vmem>>
      %dma_wait3A_137 = tpu.memref_slice %arg5[%multiple_of3A_33] : memref<16384xi32, #tpu.memory_space<vmem>> -> memref<128xi32, #tpu.memory_space<vmem>>
      %dma_wait3A_138 = arith.constant 0 : i32
      %dma_wait3A_139 = tpu.memref_slice %arg3[%dma_wait3A_138] : memref<32000000xf32, #tpu.memory_space<hbm>> -> memref<32000000xf32, #tpu.memory_space<hbm>>
      tpu.wait_indirect_dma semaphore(%arg7 : memref<!tpu.dma_semaphore, #tpu.memory_space<semaphore_mem>>) src(%dma_wait3A_139 : memref<32000000xf32, #tpu.memory_space<hbm>>) dst(%dma_wait3A_136 : memref<128xf32, #tpu.memory_space<vmem>>)
      %dma_wait3A_140 = tpu.memref_slice %arg6[%multiple_of3A_40] : memref<16384xf32, #tpu.memory_space<vmem>> -> memref<128xf32, #tpu.memory_space<vmem>>
      %dma_wait3A_141 = tpu.memref_slice %arg5[%multiple_of3A_40] : memref<16384xi32, #tpu.memory_space<vmem>> -> memref<128xi32, #tpu.memory_space<vmem>>
      %dma_wait3A_142 = arith.constant 0 : i32
      %dma_wait3A_143 = tpu.memref_slice %arg3[%dma_wait3A_142] : memref<32000000xf32, #tpu.memory_space<hbm>> -> memref<32000000xf32, #tpu.memory_space<hbm>>
      tpu.wait_indirect_dma semaphore(%arg7 : memref<!tpu.dma_semaphore, #tpu.memory_space<semaphore_mem>>) src(%dma_wait3A_143 : memref<32000000xf32, #tpu.memory_space<hbm>>) dst(%dma_wait3A_140 : memref<128xf32, #tpu.memory_space<vmem>>)
      %dma_wait3A_144 = tpu.memref_slice %arg6[%multiple_of3A_47] : memref<16384xf32, #tpu.memory_space<vmem>> -> memref<128xf32, #tpu.memory_space<vmem>>
      %dma_wait3A_145 = tpu.memref_slice %arg5[%multiple_of3A_47] : memref<16384xi32, #tpu.memory_space<vmem>> -> memref<128xi32, #tpu.memory_space<vmem>>
      %dma_wait3A_146 = arith.constant 0 : i32
      %dma_wait3A_147 = tpu.memref_slice %arg3[%dma_wait3A_146] : memref<32000000xf32, #tpu.memory_space<hbm>> -> memref<32000000xf32, #tpu.memory_space<hbm>>
      tpu.wait_indirect_dma semaphore(%arg7 : memref<!tpu.dma_semaphore, #tpu.memory_space<semaphore_mem>>) src(%dma_wait3A_147 : memref<32000000xf32, #tpu.memory_space<hbm>>) dst(%dma_wait3A_144 : memref<128xf32, #tpu.memory_space<vmem>>)
      %dma_wait3A_148 = tpu.memref_slice %arg6[%multiple_of3A_54] : memref<16384xf32, #tpu.memory_space<vmem>> -> memref<128xf32, #tpu.memory_space<vmem>>
      %dma_wait3A_149 = tpu.memref_slice %arg5[%multiple_of3A_54] : memref<16384xi32, #tpu.memory_space<vmem>> -> memref<128xi32, #tpu.memory_space<vmem>>
      %dma_wait3A_150 = arith.constant 0 : i32
      %dma_wait3A_151 = tpu.memref_slice %arg3[%dma_wait3A_150] : memref<32000000xf32, #tpu.memory_space<hbm>> -> memref<32000000xf32, #tpu.memory_space<hbm>>
      tpu.wait_indirect_dma semaphore(%arg7 : memref<!tpu.dma_semaphore, #tpu.memory_space<semaphore_mem>>) src(%dma_wait3A_151 : memref<32000000xf32, #tpu.memory_space<hbm>>) dst(%dma_wait3A_148 : memref<128xf32, #tpu.memory_space<vmem>>)
      %dma_wait3A_152 = tpu.memref_slice %arg6[%multiple_of3A_61] : memref<16384xf32, #tpu.memory_space<vmem>> -> memref<128xf32, #tpu.memory_space<vmem>>
      %dma_wait3A_153 = tpu.memref_slice %arg5[%multiple_of3A_61] : memref<16384xi32, #tpu.memory_space<vmem>> -> memref<128xi32, #tpu.memory_space<vmem>>
      %dma_wait3A_154 = arith.constant 0 : i32
      %dma_wait3A_155 = tpu.memref_slice %arg3[%dma_wait3A_154] : memref<32000000xf32, #tpu.memory_space<hbm>> -> memref<32000000xf32, #tpu.memory_space<hbm>>
      tpu.wait_indirect_dma semaphore(%arg7 : memref<!tpu.dma_semaphore, #tpu.memory_space<semaphore_mem>>) src(%dma_wait3A_155 : memref<32000000xf32, #tpu.memory_space<hbm>>) dst(%dma_wait3A_152 : memref<128xf32, #tpu.memory_space<vmem>>)
      %dma_wait3A_156 = tpu.memref_slice %arg6[%multiple_of3A_68] : memref<16384xf32, #tpu.memory_space<vmem>> -> memref<128xf32, #tpu.memory_space<vmem>>
      %dma_wait3A_157 = tpu.memref_slice %arg5[%multiple_of3A_68] : memref<16384xi32, #tpu.memory_space<vmem>> -> memref<128xi32, #tpu.memory_space<vmem>>
      %dma_wait3A_158 = arith.constant 0 : i32
      %dma_wait3A_159 = tpu.memref_slice %arg3[%dma_wait3A_158] : memref<32000000xf32, #tpu.memory_space<hbm>> -> memref<32000000xf32, #tpu.memory_space<hbm>>
      tpu.wait_indirect_dma semaphore(%arg7 : memref<!tpu.dma_semaphore, #tpu.memory_space<semaphore_mem>>) src(%dma_wait3A_159 : memref<32000000xf32, #tpu.memory_space<hbm>>) dst(%dma_wait3A_156 : memref<128xf32, #tpu.memory_space<vmem>>)
      %dma_wait3A_160 = tpu.memref_slice %arg6[%multiple_of3A_75] : memref<16384xf32, #tpu.memory_space<vmem>> -> memref<128xf32, #tpu.memory_space<vmem>>
      %dma_wait3A_161 = tpu.memref_slice %arg5[%multiple_of3A_75] : memref<16384xi32, #tpu.memory_space<vmem>> -> memref<128xi32, #tpu.memory_space<vmem>>
      %dma_wait3A_162 = arith.constant 0 : i32
      %dma_wait3A_163 = tpu.memref_slice %arg3[%dma_wait3A_162] : memref<32000000xf32, #tpu.memory_space<hbm>> -> memref<32000000xf32, #tpu.memory_space<hbm>>
      tpu.wait_indirect_dma semaphore(%arg7 : memref<!tpu.dma_semaphore, #tpu.memory_space<semaphore_mem>>) src(%dma_wait3A_163 : memref<32000000xf32, #tpu.memory_space<hbm>>) dst(%dma_wait3A_160 : memref<128xf32, #tpu.memory_space<vmem>>)
      %dma_wait3A_164 = tpu.memref_slice %arg6[%multiple_of3A_82] : memref<16384xf32, #tpu.memory_space<vmem>> -> memref<128xf32, #tpu.memory_space<vmem>>
      %dma_wait3A_165 = tpu.memref_slice %arg5[%multiple_of3A_82] : memref<16384xi32, #tpu.memory_space<vmem>> -> memref<128xi32, #tpu.memory_space<vmem>>
      %dma_wait3A_166 = arith.constant 0 : i32
      %dma_wait3A_167 = tpu.memref_slice %arg3[%dma_wait3A_166] : memref<32000000xf32, #tpu.memory_space<hbm>> -> memref<32000000xf32, #tpu.memory_space<hbm>>
      tpu.wait_indirect_dma semaphore(%arg7 : memref<!tpu.dma_semaphore, #tpu.memory_space<semaphore_mem>>) src(%dma_wait3A_167 : memref<32000000xf32, #tpu.memory_space<hbm>>) dst(%dma_wait3A_164 : memref<128xf32, #tpu.memory_space<vmem>>)
      %dma_wait3A_168 = tpu.memref_slice %arg6[%multiple_of3A_89] : memref<16384xf32, #tpu.memory_space<vmem>> -> memref<128xf32, #tpu.memory_space<vmem>>
      %dma_wait3A_169 = tpu.memref_slice %arg5[%multiple_of3A_89] : memref<16384xi32, #tpu.memory_space<vmem>> -> memref<128xi32, #tpu.memory_space<vmem>>
      %dma_wait3A_170 = arith.constant 0 : i32
      %dma_wait3A_171 = tpu.memref_slice %arg3[%dma_wait3A_170] : memref<32000000xf32, #tpu.memory_space<hbm>> -> memref<32000000xf32, #tpu.memory_space<hbm>>
      tpu.wait_indirect_dma semaphore(%arg7 : memref<!tpu.dma_semaphore, #tpu.memory_space<semaphore_mem>>) src(%dma_wait3A_171 : memref<32000000xf32, #tpu.memory_space<hbm>>) dst(%dma_wait3A_168 : memref<128xf32, #tpu.memory_space<vmem>>)
      %dma_wait3A_172 = tpu.memref_slice %arg6[%multiple_of3A_96] : memref<16384xf32, #tpu.memory_space<vmem>> -> memref<128xf32, #tpu.memory_space<vmem>>
      %dma_wait3A_173 = tpu.memref_slice %arg5[%multiple_of3A_96] : memref<16384xi32, #tpu.memory_space<vmem>> -> memref<128xi32, #tpu.memory_space<vmem>>
      %dma_wait3A_174 = arith.constant 0 : i32
      %dma_wait3A_175 = tpu.memref_slice %arg3[%dma_wait3A_174] : memref<32000000xf32, #tpu.memory_space<hbm>> -> memref<32000000xf32, #tpu.memory_space<hbm>>
      tpu.wait_indirect_dma semaphore(%arg7 : memref<!tpu.dma_semaphore, #tpu.memory_space<semaphore_mem>>) src(%dma_wait3A_175 : memref<32000000xf32, #tpu.memory_space<hbm>>) dst(%dma_wait3A_172 : memref<128xf32, #tpu.memory_space<vmem>>)
      %dma_wait3A_176 = tpu.memref_slice %arg6[%multiple_of3A_103] : memref<16384xf32, #tpu.memory_space<vmem>> -> memref<128xf32, #tpu.memory_space<vmem>>
      %dma_wait3A_177 = tpu.memref_slice %arg5[%multiple_of3A_103] : memref<16384xi32, #tpu.memory_space<vmem>> -> memref<128xi32, #tpu.memory_space<vmem>>
      %dma_wait3A_178 = arith.constant 0 : i32
      %dma_wait3A_179 = tpu.memref_slice %arg3[%dma_wait3A_178] : memref<32000000xf32, #tpu.memory_space<hbm>> -> memref<32000000xf32, #tpu.memory_space<hbm>>
      tpu.wait_indirect_dma semaphore(%arg7 : memref<!tpu.dma_semaphore, #tpu.memory_space<semaphore_mem>>) src(%dma_wait3A_179 : memref<32000000xf32, #tpu.memory_space<hbm>>) dst(%dma_wait3A_176 : memref<128xf32, #tpu.memory_space<vmem>>)
      %dma_wait3A_180 = tpu.memref_slice %arg6[%multiple_of3A_110] : memref<16384xf32, #tpu.memory_space<vmem>> -> memref<128xf32, #tpu.memory_space<vmem>>
      %dma_wait3A_181 = tpu.memref_slice %arg5[%multiple_of3A_110] : memref<16384xi32, #tpu.memory_space<vmem>> -> memref<128xi32, #tpu.memory_space<vmem>>
      %dma_wait3A_182 = arith.constant 0 : i32
      %dma_wait3A_183 = tpu.memref_slice %arg3[%dma_wait3A_182] : memref<32000000xf32, #tpu.memory_space<hbm>> -> memref<32000000xf32, #tpu.memory_space<hbm>>
      tpu.wait_indirect_dma semaphore(%arg7 : memref<!tpu.dma_semaphore, #tpu.memory_space<semaphore_mem>>) src(%dma_wait3A_183 : memref<32000000xf32, #tpu.memory_space<hbm>>) dst(%dma_wait3A_180 : memref<128xf32, #tpu.memory_space<vmem>>)
      %dma_wait3A_184 = tpu.memref_slice %arg6[%multiple_of3A_117] : memref<16384xf32, #tpu.memory_space<vmem>> -> memref<128xf32, #tpu.memory_space<vmem>>
      %dma_wait3A_185 = tpu.memref_slice %arg5[%multiple_of3A_117] : memref<16384xi32, #tpu.memory_space<vmem>> -> memref<128xi32, #tpu.memory_space<vmem>>
      %dma_wait3A_186 = arith.constant 0 : i32
      %dma_wait3A_187 = tpu.memref_slice %arg3[%dma_wait3A_186] : memref<32000000xf32, #tpu.memory_space<hbm>> -> memref<32000000xf32, #tpu.memory_space<hbm>>
      tpu.wait_indirect_dma semaphore(%arg7 : memref<!tpu.dma_semaphore, #tpu.memory_space<semaphore_mem>>) src(%dma_wait3A_187 : memref<32000000xf32, #tpu.memory_space<hbm>>) dst(%dma_wait3A_184 : memref<128xf32, #tpu.memory_space<vmem>>)
      %dma_wait3A_188 = tpu.memref_slice %arg6[%multiple_of3A_124] : memref<16384xf32, #tpu.memory_space<vmem>> -> memref<128xf32, #tpu.memory_space<vmem>>
      %dma_wait3A_189 = tpu.memref_slice %arg5[%multiple_of3A_124] : memref<16384xi32, #tpu.memory_space<vmem>> -> memref<128xi32, #tpu.memory_space<vmem>>
      %dma_wait3A_190 = arith.constant 0 : i32
      %dma_wait3A_191 = tpu.memref_slice %arg3[%dma_wait3A_190] : memref<32000000xf32, #tpu.memory_space<hbm>> -> memref<32000000xf32, #tpu.memory_space<hbm>>
      tpu.wait_indirect_dma semaphore(%arg7 : memref<!tpu.dma_semaphore, #tpu.memory_space<semaphore_mem>>) src(%dma_wait3A_191 : memref<32000000xf32, #tpu.memory_space<hbm>>) dst(%dma_wait3A_188 : memref<128xf32, #tpu.memory_space<vmem>>)
      %scan3A_192 = arith.constant 0 : i32
      scf.yield %scan3A_192 : i32
    }
    %scan3A_6 = arith.constant 8 : i32
    %scan3A_7 = arith.constant 0 : i32
    %scan3A_8 = arith.constant 0 : i32
    %scan3A_9 = arith.constant 8 : i32
    %scan3A_10 = arith.addi %scan3A_8, %scan3A_9 : i32
    %scan3A_11 = arith.constant 1 : i32
    %scan3A_12 = scf.for %scan3A_14 = %scan3A_8 to %scan3A_10 step %scan3A_11 iter_args(%scan3A_15 = %scan3A_7) -> (i32)  : i32 {
      %mul3A_16 = arith.constant 4 : i32
      %mul3A_17 = arith.muli %scan3A_14, %mul3A_16 : i32
      %add3A_18 = arith.constant 0 : i32
      %add3A_19 = arith.addi %mul3A_17, %add3A_18 : i32
      %mul3A_20 = arith.constant 512 : i32
      %mul3A_21 = arith.muli %add3A_19, %mul3A_20 : i32
      %multiple_of3A = tpu.assume_multiple %mul3A_21, 512 : i32
      %mul3A_22 = arith.constant 16384 : i32
      %mul3A_23 = arith.muli %add3A_19, %mul3A_22 : i32
      %mul3A_24 = arith.constant 512 : i32
      %mul3A_25 = arith.muli %add3A, %mul3A_24 : i32
      %add3A_26 = arith.addi %mul3A_23, %mul3A_25 : i32
      %multiple_of3A_27 = tpu.assume_multiple %add3A_26, 512 : i32
      %dma_start3A = tpu.memref_slice %arg6[%multiple_of3A] : memref<16384xf32, #tpu.memory_space<vmem>> -> memref<512xf32, #tpu.memory_space<vmem>>
      %dma_start3A_28 = tpu.memref_slice %arg4[%multiple_of3A_27] : memref<524288xf32, #tpu.memory_space<hbm>> -> memref<512xf32, #tpu.memory_space<hbm>>
      %dma_start3A_29 = tpu.memref_slice %arg4[%multiple_of3A_27] : memref<524288xf32, #tpu.memory_space<hbm>> -> memref<512xf32, #tpu.memory_space<hbm>>
      %dma_start3A_30 = tpu.memref_slice %arg6[%multiple_of3A] : memref<16384xf32, #tpu.memory_space<vmem>> -> memref<512xf32, #tpu.memory_space<vmem>>
      tpu.enqueue_dma source(%dma_start3A_30 : memref<512xf32, #tpu.memory_space<vmem>>) target(%dma_start3A_29 : memref<512xf32, #tpu.memory_space<hbm>>) target_semaphore(%arg8 : memref<!tpu.dma_semaphore, #tpu.memory_space<semaphore_mem>>)
      %mul3A_31 = arith.constant 4 : i32
      %mul3A_32 = arith.muli %scan3A_14, %mul3A_31 : i32
      %add3A_33 = arith.constant 1 : i32
      %add3A_34 = arith.addi %mul3A_32, %add3A_33 : i32
      %mul3A_35 = arith.constant 512 : i32
      %mul3A_36 = arith.muli %add3A_34, %mul3A_35 : i32
      %multiple_of3A_37 = tpu.assume_multiple %mul3A_36, 512 : i32
      %mul3A_38 = arith.constant 16384 : i32
      %mul3A_39 = arith.muli %add3A_34, %mul3A_38 : i32
      %mul3A_40 = arith.constant 512 : i32
      %mul3A_41 = arith.muli %add3A, %mul3A_40 : i32
      %add3A_42 = arith.addi %mul3A_39, %mul3A_41 : i32
      %multiple_of3A_43 = tpu.assume_multiple %add3A_42, 512 : i32
      %dma_start3A_44 = tpu.memref_slice %arg6[%multiple_of3A_37] : memref<16384xf32, #tpu.memory_space<vmem>> -> memref<512xf32, #tpu.memory_space<vmem>>
      %dma_start3A_45 = tpu.memref_slice %arg4[%multiple_of3A_43] : memref<524288xf32, #tpu.memory_space<hbm>> -> memref<512xf32, #tpu.memory_space<hbm>>
      %dma_start3A_46 = tpu.memref_slice %arg4[%multiple_of3A_43] : memref<524288xf32, #tpu.memory_space<hbm>> -> memref<512xf32, #tpu.memory_space<hbm>>
      %dma_start3A_47 = tpu.memref_slice %arg6[%multiple_of3A_37] : memref<16384xf32, #tpu.memory_space<vmem>> -> memref<512xf32, #tpu.memory_space<vmem>>
      tpu.enqueue_dma source(%dma_start3A_47 : memref<512xf32, #tpu.memory_space<vmem>>) target(%dma_start3A_46 : memref<512xf32, #tpu.memory_space<hbm>>) target_semaphore(%arg8 : memref<!tpu.dma_semaphore, #tpu.memory_space<semaphore_mem>>)
      %mul3A_48 = arith.constant 4 : i32
      %mul3A_49 = arith.muli %scan3A_14, %mul3A_48 : i32
      %add3A_50 = arith.constant 2 : i32
      %add3A_51 = arith.addi %mul3A_49, %add3A_50 : i32
      %mul3A_52 = arith.constant 512 : i32
      %mul3A_53 = arith.muli %add3A_51, %mul3A_52 : i32
      %multiple_of3A_54 = tpu.assume_multiple %mul3A_53, 512 : i32
      %mul3A_55 = arith.constant 16384 : i32
      %mul3A_56 = arith.muli %add3A_51, %mul3A_55 : i32
      %mul3A_57 = arith.constant 512 : i32
      %mul3A_58 = arith.muli %add3A, %mul3A_57 : i32
      %add3A_59 = arith.addi %mul3A_56, %mul3A_58 : i32
      %multiple_of3A_60 = tpu.assume_multiple %add3A_59, 512 : i32
      %dma_start3A_61 = tpu.memref_slice %arg6[%multiple_of3A_54] : memref<16384xf32, #tpu.memory_space<vmem>> -> memref<512xf32, #tpu.memory_space<vmem>>
      %dma_start3A_62 = tpu.memref_slice %arg4[%multiple_of3A_60] : memref<524288xf32, #tpu.memory_space<hbm>> -> memref<512xf32, #tpu.memory_space<hbm>>
      %dma_start3A_63 = tpu.memref_slice %arg4[%multiple_of3A_60] : memref<524288xf32, #tpu.memory_space<hbm>> -> memref<512xf32, #tpu.memory_space<hbm>>
      %dma_start3A_64 = tpu.memref_slice %arg6[%multiple_of3A_54] : memref<16384xf32, #tpu.memory_space<vmem>> -> memref<512xf32, #tpu.memory_space<vmem>>
      tpu.enqueue_dma source(%dma_start3A_64 : memref<512xf32, #tpu.memory_space<vmem>>) target(%dma_start3A_63 : memref<512xf32, #tpu.memory_space<hbm>>) target_semaphore(%arg8 : memref<!tpu.dma_semaphore, #tpu.memory_space<semaphore_mem>>)
      %mul3A_65 = arith.constant 4 : i32
      %mul3A_66 = arith.muli %scan3A_14, %mul3A_65 : i32
      %add3A_67 = arith.constant 3 : i32
      %add3A_68 = arith.addi %mul3A_66, %add3A_67 : i32
      %mul3A_69 = arith.constant 512 : i32
      %mul3A_70 = arith.muli %add3A_68, %mul3A_69 : i32
      %multiple_of3A_71 = tpu.assume_multiple %mul3A_70, 512 : i32
      %mul3A_72 = arith.constant 16384 : i32
      %mul3A_73 = arith.muli %add3A_68, %mul3A_72 : i32
      %mul3A_74 = arith.constant 512 : i32
      %mul3A_75 = arith.muli %add3A, %mul3A_74 : i32
      %add3A_76 = arith.addi %mul3A_73, %mul3A_75 : i32
      %multiple_of3A_77 = tpu.assume_multiple %add3A_76, 512 : i32
      %dma_start3A_78 = tpu.memref_slice %arg6[%multiple_of3A_71] : memref<16384xf32, #tpu.memory_space<vmem>> -> memref<512xf32, #tpu.memory_space<vmem>>
      %dma_start3A_79 = tpu.memref_slice %arg4[%multiple_of3A_77] : memref<524288xf32, #tpu.memory_space<hbm>> -> memref<512xf32, #tpu.memory_space<hbm>>
      %dma_start3A_80 = tpu.memref_slice %arg4[%multiple_of3A_77] : memref<524288xf32, #tpu.memory_space<hbm>> -> memref<512xf32, #tpu.memory_space<hbm>>
      %dma_start3A_81 = tpu.memref_slice %arg6[%multiple_of3A_71] : memref<16384xf32, #tpu.memory_space<vmem>> -> memref<512xf32, #tpu.memory_space<vmem>>
      tpu.enqueue_dma source(%dma_start3A_81 : memref<512xf32, #tpu.memory_space<vmem>>) target(%dma_start3A_80 : memref<512xf32, #tpu.memory_space<hbm>>) target_semaphore(%arg8 : memref<!tpu.dma_semaphore, #tpu.memory_space<semaphore_mem>>)
      %dma_wait3A = tpu.memref_slice %arg6[%multiple_of3A] : memref<16384xf32, #tpu.memory_space<vmem>> -> memref<512xf32, #tpu.memory_space<vmem>>
      %dma_wait3A_82 = tpu.memref_slice %arg4[%multiple_of3A_27] : memref<524288xf32, #tpu.memory_space<hbm>> -> memref<512xf32, #tpu.memory_space<hbm>>
      %dma_wait3A_83 = tpu.memref_slice %arg4[%multiple_of3A_27] : memref<524288xf32, #tpu.memory_space<hbm>> -> memref<512xf32, #tpu.memory_space<hbm>>
      %dma_wait3A_84 = tpu.memref_slice %arg6[%multiple_of3A] : memref<16384xf32, #tpu.memory_space<vmem>> -> memref<512xf32, #tpu.memory_space<vmem>>
      tpu.wait_dma2 semaphore(%arg8 : memref<!tpu.dma_semaphore, #tpu.memory_space<semaphore_mem>>) src(%dma_wait3A_84 : memref<512xf32, #tpu.memory_space<vmem>>) dst(%dma_wait3A_83 : memref<512xf32, #tpu.memory_space<hbm>>)
      %dma_wait3A_85 = tpu.memref_slice %arg6[%multiple_of3A_37] : memref<16384xf32, #tpu.memory_space<vmem>> -> memref<512xf32, #tpu.memory_space<vmem>>
      %dma_wait3A_86 = tpu.memref_slice %arg4[%multiple_of3A_43] : memref<524288xf32, #tpu.memory_space<hbm>> -> memref<512xf32, #tpu.memory_space<hbm>>
      %dma_wait3A_87 = tpu.memref_slice %arg4[%multiple_of3A_43] : memref<524288xf32, #tpu.memory_space<hbm>> -> memref<512xf32, #tpu.memory_space<hbm>>
      %dma_wait3A_88 = tpu.memref_slice %arg6[%multiple_of3A_37] : memref<16384xf32, #tpu.memory_space<vmem>> -> memref<512xf32, #tpu.memory_space<vmem>>
      tpu.wait_dma2 semaphore(%arg8 : memref<!tpu.dma_semaphore, #tpu.memory_space<semaphore_mem>>) src(%dma_wait3A_88 : memref<512xf32, #tpu.memory_space<vmem>>) dst(%dma_wait3A_87 : memref<512xf32, #tpu.memory_space<hbm>>)
      %dma_wait3A_89 = tpu.memref_slice %arg6[%multiple_of3A_54] : memref<16384xf32, #tpu.memory_space<vmem>> -> memref<512xf32, #tpu.memory_space<vmem>>
      %dma_wait3A_90 = tpu.memref_slice %arg4[%multiple_of3A_60] : memref<524288xf32, #tpu.memory_space<hbm>> -> memref<512xf32, #tpu.memory_space<hbm>>
      %dma_wait3A_91 = tpu.memref_slice %arg4[%multiple_of3A_60] : memref<524288xf32, #tpu.memory_space<hbm>> -> memref<512xf32, #tpu.memory_space<hbm>>
      %dma_wait3A_92 = tpu.memref_slice %arg6[%multiple_of3A_54] : memref<16384xf32, #tpu.memory_space<vmem>> -> memref<512xf32, #tpu.memory_space<vmem>>
      tpu.wait_dma2 semaphore(%arg8 : memref<!tpu.dma_semaphore, #tpu.memory_space<semaphore_mem>>) src(%dma_wait3A_92 : memref<512xf32, #tpu.memory_space<vmem>>) dst(%dma_wait3A_91 : memref<512xf32, #tpu.memory_space<hbm>>)
      %dma_wait3A_93 = tpu.memref_slice %arg6[%multiple_of3A_71] : memref<16384xf32, #tpu.memory_space<vmem>> -> memref<512xf32, #tpu.memory_space<vmem>>
      %dma_wait3A_94 = tpu.memref_slice %arg4[%multiple_of3A_77] : memref<524288xf32, #tpu.memory_space<hbm>> -> memref<512xf32, #tpu.memory_space<hbm>>
      %dma_wait3A_95 = tpu.memref_slice %arg4[%multiple_of3A_77] : memref<524288xf32, #tpu.memory_space<hbm>> -> memref<512xf32, #tpu.memory_space<hbm>>
      %dma_wait3A_96 = tpu.memref_slice %arg6[%multiple_of3A_71] : memref<16384xf32, #tpu.memory_space<vmem>> -> memref<512xf32, #tpu.memory_space<vmem>>
      tpu.wait_dma2 semaphore(%arg8 : memref<!tpu.dma_semaphore, #tpu.memory_space<semaphore_mem>>) src(%dma_wait3A_96 : memref<512xf32, #tpu.memory_space<vmem>>) dst(%dma_wait3A_95 : memref<512xf32, #tpu.memory_space<hbm>>)
      %scan3A_97 = arith.constant 0 : i32
      scf.yield %scan3A_97 : i32
    }
    %scan3A_13 = arith.constant 8 : i32
    return
  }
}

</mosaic_0001>

<sc_bundles>
// kernel: kernel.3.cloned.1.call-start
scs
__scs_entry_jumppad:
0x0: {  	(pc) =	sbr.rel $0x88, $3  }
0x1: {  	(tag) =	ssettag $0x0;
	lr =	simm.s32 $0x1  }
0x2: {  	[smem:$0x3F9F] =	sst lr;
	_ =	strace $0xD0000000  }
0x3: {  	_ = 	snop  }
0x4: {  	_ = 	snop  }
0x5: {  	_ = 	snop  }
0x6: {  	_ = 	snop  }
0x7: {  	_ = 	snop  }
__scs_overlays_trampoline_lowered:
0x8: {  	[smem:$0x3FAE] =	sst s0  }
0x9: {  	[smem:$0x3FAF] =	sst s1  }
0xa: {  	[smem:$0x3FB0] =	sst s2  }
0xb: {  	[smem:$0x3FB1] =	sst s3  }
0xc: {  	[smem:$0x3FB2] =	sst s4  }
0xd: {  	[smem:$0x3FB3] =	sst s5  }
0xe: {  	[smem:$0x3FB4] =	sst s6  }
0xf: {  	[smem:$0x3FB5] =	sst s7  }
0x10: {  	[smem:$0x3FB6] =	sst s8  }
0x11: {  	[smem:$0x3FB7] =	sst s9;
	s0 =	simm.s32 @!p0 $0x0  }
0x12: {  	s1 =	sld [smem:$0x3F9D];
	s0 =	simm.s32 @p0 $0x1  }
0x13: {  	[smem:$0x3FB8] =	sst s0;
	s0 =	simm.s32 @!p1 $0x0  }
0x14: {  	s2 =	sld [smem:$0x3F9C];
	s0 =	simm.s32 @p1 $0x1  }
0x15: {  	[smem:$0x3FB9] =	sst s0;
	s0 =	simm.s32 @!p2 $0x0  }
0x16: {  	s3 =	sld [smem:$0x3FDB];
	s0 =	simm.s32 @p2 $0x1  }
0x17: {  	s4 =	simm.s32 $0x1BF5;
	[smem:$0x3FBB] =	sst s0  }
0x18: {  	s0 =	sld [smem:$0x3F9E];
	_ =	swait.ge [sflag:s4], $0x0  }
0x19: {  	s7 =	sld [smem:$0x3F9F]  }
0x1a: {  	s8 =	sadd.s32 $0xFFFFE003, lr  }
0x1b: {  	s9 =	sadd.s32 $0xFFFFFEF7, lr;
	s5 =	simm.s32 $0xFFFFFFFF;
	p2 =	slt.u32 s8, $0xFFFFF086  }
0x1c: {  	p1 =	slt.u32 s9, $0xF7A;
	s5 =	simm.s32 @!p2 $0x0  }
0x1d: {  	s5 =	simm.s32 @p1 $0x1;
	p0 =	seq.s32 s7, s2  }
0x1e: {  	s7 =	smul.u32 @!p0 $0xF7A, s2;
	p2 =	seq.s32 @!p0 s5, $0x0  }
0x1f: {  	s9 =	smul.u32 $0xF7A, s1;
	s8 =	simm.s32 @!p0 $0x1BF5;
	p2 =	por !p2, p0  }
0x20: {  	[sflag:s8] =	ssyncset.s32 @!p0 $0xFFFFF086;
	s6 =	sadd.s32 @!p0 s3, s7;
	s7 =	simm.s32 @!p0 $0x108  }
0x21: {  	s3 =	sadd.s32 s3, s9;
	s6 =	sadd.s32 @!p0 $0x88, s6;
	s7 =	simm.s32 @p2 $0x1082  }
0x22: {  	[simem:s7], [sflag:s8] =	dma.local @!p0 [hbm:s6], $0xF7A  }
0x23: {  	s9 =	sor.u32 $0xD0000000, s2;
	s6 =	simm.s32 $0x108;
	_ =	swait.ge @!p0 [sflag:s8], $0x0  }
0x24: {  	s3 =	sadd.s32 $0x88, s3;
	s6 =	simm.s32 @!p1 $0x1082;
	[sflag:s4] =	ssyncset.s32 $0xFFFFF086  }
0x25: {  	[simem:s6], [sflag:s4] =	dma.local [hbm:s3], $0xF7A  }
0x26: {  	[smem:$0x3F9F] =	sst s1;
	(tag) =	ssettag s2;
	_ =	strace s9  }
0x27: {  	s1 =	sld [smem:$0x3FAF]  }
0x28: {  	s2 =	sld [smem:$0x3FB0]  }
0x29: {  	s4 =	sld [smem:$0x3FB2]  }
0x2a: {  	p0 =	seq.s32 s5, $0x0;
	s5 =	sld [smem:$0x3FB3]  }
0x2b: {  	s6 =	sld [smem:$0x3FB4]  }
0x2c: {  	s7 =	sld [smem:$0x3FB5]  }
0x2d: {  	s3 =	simm.s32 $0x108;
	s8 =	sld [smem:$0x3FB6]  }
0x2e: {  	s3 =	simm.s32 @!p0 $0x1082;
	s9 =	sld [smem:$0x3FB7]  }
0x2f: {  	lr =	sadd.s32 s0, s3;
	s0 =	sld [smem:$0x3FAE]  }
0x30: {  	s3 =	sld [smem:$0x3FB1]  }
0x31: {  	[smem:$0x3FBA] =	sst s10  }
0x32: {  	s10 =	sld [smem:$0x3FB8];
	_ =	sdelay $0x3  }
0x33: {  	p0 =	seq.s32 s10, $0x1;
	s10 =	sld [smem:$0x3FBA];
	_ =	sdelay $0x3  }
0x34: {  	[smem:$0x3FBA] =	sst s10  }
0x35: {  	s10 =	sld [smem:$0x3FB9];
	_ =	sdelay $0x3  }
0x36: {  	p1 =	seq.s32 s10, $0x1;
	s10 =	sld [smem:$0x3FBA];
	_ =	sdelay $0x3  }
0x37: {  	[smem:$0x3FBA] =	sst s10  }
0x38: {  	s10 =	sld [smem:$0x3FBB]  }
0x39: {  	_ = 	snop;
	(pc) =	sbr.ind lr, $3  }
0x3a: {  	_ = 	snop  }
0x3b: {  	_ = 	snop  }
0x3c: {  	p2 =	seq.s32 s10, $0x1;
	s10 =	sld [smem:$0x3FBA]  }
0x3d: {  	_ =	shalt  }
0x3e: {  	_ =	shalt  }
0x3f: {  	_ =	shalt  }
0x40: {  	_ =	shalt  }
0x41: {  	_ =	shalt  }
0x42: {  	_ =	shalt  }
0x43: {  	_ =	shalt  }
0x44: {  	_ =	shalt  }
0x45: {  	_ =	shalt  }
0x46: {  	_ =	shalt  }
0x47: {  	_ =	shalt  }
0x48: {  	_ =	shalt  }
0x49: {  	_ =	shalt  }
0x4a: {  	_ =	shalt  }
0x4b: {  	_ =	shalt  }
0x4c: {  	_ =	shalt  }
0x4d: {  	_ =	shalt  }
0x4e: {  	_ =	shalt  }
0x4f: {  	_ =	shalt  }
0x50: {  	_ =	shalt  }
0x51: {  	_ =	shalt  }
0x52: {  	_ =	shalt  }
0x53: {  	_ =	shalt  }
0x54: {  	_ =	shalt  }
0x55: {  	_ =	shalt  }
0x56: {  	_ =	shalt  }
0x57: {  	_ =	shalt  }
0x58: {  	_ =	shalt  }
0x59: {  	_ =	shalt  }
0x5a: {  	_ =	shalt  }
0x5b: {  	_ =	shalt  }
0x5c: {  	_ =	shalt  }
0x5d: {  	_ =	shalt  }
0x5e: {  	_ =	shalt  }
0x5f: {  	_ =	shalt  }
0x60: {  	_ =	shalt  }
0x61: {  	_ =	shalt  }
0x62: {  	_ =	shalt  }
0x63: {  	_ =	shalt  }
0x64: {  	_ =	shalt  }
0x65: {  	_ =	shalt  }
0x66: {  	_ =	shalt  }
0x67: {  	_ =	shalt  }
0x68: {  	_ =	shalt  }
0x69: {  	_ =	shalt  }
0x6a: {  	_ =	shalt  }
0x6b: {  	_ =	shalt  }
0x6c: {  	_ =	shalt  }
0x6d: {  	_ =	shalt  }
0x6e: {  	_ =	shalt  }
0x6f: {  	_ =	shalt  }
0x70: {  	_ =	shalt  }
0x71: {  	_ =	shalt  }
0x72: {  	_ =	shalt  }
0x73: {  	_ =	shalt  }
0x74: {  	_ =	shalt  }
0x75: {  	_ =	shalt  }
0x76: {  	_ =	shalt  }
0x77: {  	_ =	shalt  }
0x78: {  	_ =	shalt  }
0x79: {  	_ =	shalt  }
0x7a: {  	_ =	shalt  }
0x7b: {  	_ =	shalt  }
0x7c: {  	_ =	shalt  }
0x7d: {  	_ =	shalt  }
0x7e: {  	_ =	shalt  }
0x7f: {  	_ =	shalt  }
0x80: {  	_ =	shalt  }
0x81: {  	_ =	shalt  }
0x82: {  	_ =	shalt  }
0x83: {  	_ =	shalt  }
0x84: {  	_ =	shalt  }
0x85: {  	_ =	shalt  }
0x86: {  	_ =	shalt  }
0x87: {  	_ =	shalt  }
.Lfunc_end0:
.L_simem_size_0:
called_computation_lowered:
.L_overlay_start_0:
0x88: {  	s2 =	sld [smem:$0x3FD9]  }
0x89: {  	s3 =	sld [smem:$0x3FFE];
	_ =	sdelay $0x1  }
0x8a: {  	s1 =	srdreg.scid  }
0x8b: {  	s0 =	sand.u32 $0x1, s1  }
0x8c: {  	s17 =	sshll.u32 s0, $0xA;
	s2 =	sadd.s32 s3, s2  }
0x8d: {  	s2 =	sadd.s32 s2, s17  }
0x8e: {  	[smem:$0x3FC6] =	sst s2  }
0x8f: {  	_ = 	snop  }
0x90: {  	s2 =	sld [smem:$0x3FD0];
	(tm) =	ssettm $0x1  }
0x91: {  	s18 =	sld [smem:$0x3FFB];
	_ =	sdelay $0x3  }
0x92: {  	_ =	strace s18  }
0x93: {  	s3 =	sld [smem:$0x3FFC];
	_ =	sdelay $0x3  }
0x94: {  	_ =	strace s3  }
0x95: {  	s3 =	sld [smem:$0x3FFD];
	_ =	sdelay $0x3  }
0x96: {  	_ =	strace s3  }
0x97: {  	_ =	strace $0x8FFFFFFF  }
0x98: {  	s19 =	sld [smem:$0x3FDB];
	_ =	sdelay $0x1  }
0x99: {  	s4 =	simm.s32 $_scs_section_size  }
0x9a: {  	s5 =	simm.s32 $_size__tile_overlayer_lowered;
	s6 =	simm.s32 $_tile_overlayer_lowered  }
0x9b: {  	s22 =	simm.s32 $0x1BFF;
	s21 =	sshll.u32 s6, $0x1;
	s3 =	sadd.s32 s4, s19  }
0x9c: {  	s7 =	simm.s32 $0x0;
	s20 =	sshll.u32 s5, $0x1;
	s5 =	sadd.s32 s21, s3  }
0x9d: {  	[timem:s7], [sflag:s22] =	dma.local [hbm:s5], s20  }
0x9e: {  	_ =	swait.ge [sflag:s22], s20  }
0x9f: {  	s4 =	ssub.s32 $0x0, s20;
	[sflag:s22] =	ssyncset.done $0x0  }
0xa0: {  	[sflag:s22] =	ssyncadd.s32 s4;
	_ =	sdelay $0x1  }
0xa1: {  	s23 =	simm.s32 $0x1B8B  }
0xa2: {  	_ =	swait.ge [sflag:s23], $0x1  }
0xa3: {  	[sflag:s23] =	ssyncset.done $0x0  }
0xa4: {  	s25 =	simm.s32 $0x1B8E;
	s24 =	sld [smem:$0x3FFE];
	[sflag:s23] =	ssyncadd.s32 $0xFFFFFFFF  }
0xa5: {  	s26 =	simm.s32 $execute0_lowered;
	[smem:$0x3FD2] =	sst s25  }
0xa6: {  	s5 =	sshll.u32 s26, $0x1;
	_ =	strace $0x80000046;
	[dreg:$0x1] =	wrdreg $0xFFFFFFFF  }
0xa7: {  	s28 =	simm.s32 $_size_execute0_lowered;
	s3 =	sadd.s32 s3, s5;
	[dreg:$0x0] =	wrdreg $0x0  }
0xa8: {  	s5 =	sshll.u32 s28, $0x1;
	[dreg:$0x2] =	wrdreg s3  }
0xa9: {  	[dreg:$0x3] =	wrdreg s5  }
0xaa: {  	[dreg:$0x4] =	wrdreg $0xC0  }
0xab: {  	_ =	task [dreg:s7], $0x5FFFF  }
0xac: {  	[dreg:$0x1] =	wrdreg $0xFFFFFFFF  }
0xad: {  	[dreg:$0x0] =	wrdreg $0x60  }
0xae: {  	[dreg:$0x2] =	wrdreg s2  }
0xaf: {  	[dreg:$0x3] =	wrdreg s24  }
0xb0: {  	[dreg:$0x4] =	wrdreg $0x9  }
0xb1: {  	_ =	task.clear_ibuf [dreg:s7], $0x5FFFF;
	_ =	strace $0x90000046  }
0xb2: {  	s29 =	simm.s32 $0x9;
	_ =	strace $0x80000048  }
0xb3: {  	_ =	swait.ge [sflag:s29], $0x1  }
0xb4: {  	[sflag:s29] =	ssyncadd.s32 $0xFFFFFFFF  }
0xb5: {  	_ =	strace $0x90000048  }
0xb6: {  	_ =	sfence  }
0xb7: {  	s30 =	sld [smem:$0x0];
	_ =	sdelay $0x2  }
0xb8: {  	s31 =	sshll.u32 s1, $0xD;
	s1 =	sshrl.u32 s1, $0x2  }
0xb9: {  	s3 =	sand.u32 $0x4000, s31;
	s1 =	sadd.s32 s1, s30  }
0xba: {  	s0 =	sor.u32 s3, s0;
	s1 =	sshll.u32 s1, $0x11  }
0xbb: {  	s0 =	sor.u32 s1, s0  }
0xbc: {  	s0 =	sadd.s32 $0x8F2B, s0  }
0xbd: {  	[sflag:s0] =	ssyncadd.remote.s32 $0x1  }
0xbe: {  	_ =	sfence.sel $0xFFFF  }
0xbf: {  	[dreg:$0x0] =	wrdreg $0xFFFFFFFF;
	(pc) =	sbr.abs _section_cstart, $3  }
0xc0: {  	[dreg:$0x1] =	wrdreg $0xFFFFFFFF  }
0xc1: {  	_ =	task.clear_ibuf [dreg:s7], $0x2FFFF;
	_ =	strace $0x9FFFFFFF  }
0xc2: {  	(tm) =	ssettm $0x7FFFFFFF  }
0xc3: {  	_ =	shalt  }
tec
execute0_lowered:
.L_overlay_start_1:
0x0: {  	(tag) =	ssettag $0x1  }
0x1: {  	s4 =	rddreg [dreg:$0x0]  }
0x2: {  	s2 =	rddreg [dreg:$0x1]  }
0x3: {  	s0 =	rddreg [dreg:$0x2];
	s1 =	simm.s32 $0x0  }
0x4: {  	s3 =	srdreg.scid;
	s12 =	simm.s32 $0x3;
	s13 =	simm.s32 $0x1  }
0x5: {  	s14 =	simm.s32 $0x2;
	s15 =	simm.s32 $0x0;
	[smem:$0x7FF] =	sst s1  }
0x6: {  	s5 =	sand.u32 $0x1, s3;
	s3 =	sadd.s32 $0x400, s2;
	s9 =	sadd.s32 $0x3D0E00, s2  }
0x7: {  	s2 =	stileid.u32;
	_ =	strace $0x80000047;
	s6 =	ssub.s32 $0x2, s5  }
0x8: {  	s24 =	sshll.u32 s2, $0xC;
	s8 =	sshll.u32 s2, $0x5;
	s10 =	sshll.u32 s5, $0x4  }
0x9: {  	s11 =	sshll.u32 s2, $0xA;
	s5 =	sshll.u32 s5, $0x9;
	s7 =	sshrl.u32 s6, $0x1  }
0xa: {  	s8 =	sor.u32 s10, s8;
	s25 =	sor.u32 s5, s11;
	s11 =	simm.s32 $0x400  }
0xb: {  	s6 =	ssub.s32 s6, s7;
	s7 =	sand.u32 $0xC000, s24;
	s26 =	sand.u32 $0x70, s8  }
0xc: {  	s28 =	sor.u32 $0xC000, s25;
	s30 =	sor.u32 $0x8000, s25;
	s31 =	sor.u32 $0x4000, s25  }
0xd: {  	s10 =	sshrl.u32 s25, $0x3;
	s4 =	sadd.s32 s4, s7;
	s5 =	smax.u32 s6, $0x1  }
0xe: {  	s29 =	sshrl.u32 s28, $0x3;
	s7 =	sshrl.u32 s30, $0x3;
	s8 =	sshrl.u32 s31, $0x3  }
0xf: {  	s4 =	sadd.s32 s26, s4;
	s6 =	sadd.s32 s29, s9;
	s7 =	sadd.s32 s7, s9  }
0x10: {  	s8 =	sadd.s32 s8, s9;
	s9 =	sadd.s32 s10, s9;
	s10 =	simm.s32 $0x80  }
.LBB2_1:
0x11: {  	[tilespmem:s1], [sflag:$0x3] =	stream.strided.gather [hbm4b:s4+s10], $0x4000, s11, s10, $0x38;
	[tilespmem:$0x8000] =	vst v63  }
0x12: {  	_ =	swait.ge [sflag:s12], $0x4000  }
0x13: {  	[sflag:s12] =	ssyncset.done $0x0  }
0x14: {  	s16 =	simm.s32 $0x0;
	s17 =	simm.s32 $0x4000;
	[sflag:s12] =	ssyncadd.s32 $0xFFFFC000  }
0x15: {  	[tilespmem:s17], [sflag:$0x1] =	stream.indirect.gather [hbm4b:s3+s10], $0x1, s16, s10, $0xb8;
	[tilespmem:$0x8000] =	vst v63  }
0x16: {  	s30 =	simm.s32 $0x4080;
	s31 =	simm.s32 $0x80  }
0x17: {  	[tilespmem:s30], [sflag:$0x1] =	stream.indirect.gather [hbm4b:s3+s10], $0x1, s31, s10, $0xb8;
	[tilespmem:$0x8000] =	vst v63  }
0x18: {  	s18 =	simm.s32 $0x100;
	s17 =	simm.s32 $0x4100  }
0x19: {  	[tilespmem:s17], [sflag:$0x1] =	stream.indirect.gather [hbm4b:s3+s10], $0x1, s18, s10, $0xb8;
	[tilespmem:$0x8000] =	vst v63  }
0x1a: {  	s19 =	simm.s32 $0x4180;
	s20 =	simm.s32 $0x180  }
0x1b: {  	[tilespmem:s19], [sflag:$0x1] =	stream.indirect.gather [hbm4b:s3+s10], $0x1, s20, s10, $0xb8;
	[tilespmem:$0x8000] =	vst v63  }
0x1c: {  	s21 =	simm.s32 $0x4200;
	s22 =	simm.s32 $0x200  }
0x1d: {  	[tilespmem:s21], [sflag:$0x1] =	stream.indirect.gather [hbm4b:s3+s10], $0x1, s22, s10, $0xb8;
	[tilespmem:$0x8000] =	vst v63  }
0x1e: {  	s23 =	simm.s32 $0x4280;
	s24 =	simm.s32 $0x280  }
0x1f: {  	[tilespmem:s23], [sflag:$0x1] =	stream.indirect.gather [hbm4b:s3+s10], $0x1, s24, s10, $0xb8;
	[tilespmem:$0x8000] =	vst v63  }
0x20: {  	s25 =	simm.s32 $0x4300;
	s26 =	simm.s32 $0x300  }
0x21: {  	[tilespmem:s25], [sflag:$0x1] =	stream.indirect.gather [hbm4b:s3+s10], $0x1, s26, s10, $0xb8;
	[tilespmem:$0x8000] =	vst v63  }
0x22: {  	s28 =	simm.s32 $0x4380;
	s29 =	simm.s32 $0x380  }
0x23: {  	[tilespmem:s28], [sflag:$0x1] =	stream.indirect.gather [hbm4b:s3+s10], $0x1, s29, s10, $0xb8;
	[tilespmem:$0x8000] =	vst v63  }
0x24: {  	s30 =	simm.s32 $0x4400;
	s31 =	simm.s32 $0x400  }
0x25: {  	[tilespmem:s30], [sflag:$0x1] =	stream.indirect.gather [hbm4b:s3+s10], $0x1, s31, s10, $0xb8;
	[tilespmem:$0x8000] =	vst v63  }
0x26: {  	s17 =	simm.s32 $0x4480;
	s18 =	simm.s32 $0x480  }
0x27: {  	[tilespmem:s17], [sflag:$0x1] =	stream.indirect.gather [hbm4b:s3+s10], $0x1, s18, s10, $0xb8;
	[tilespmem:$0x8000] =	vst v63  }
0x28: {  	s19 =	simm.s32 $0x4500;
	s20 =	simm.s32 $0x500  }
0x29: {  	[tilespmem:s19], [sflag:$0x1] =	stream.indirect.gather [hbm4b:s3+s10], $0x1, s20, s10, $0xb8;
	[tilespmem:$0x8000] =	vst v63  }
0x2a: {  	s21 =	simm.s32 $0x4580;
	s22 =	simm.s32 $0x580  }
0x2b: {  	[tilespmem:s21], [sflag:$0x1] =	stream.indirect.gather [hbm4b:s3+s10], $0x1, s22, s10, $0xb8;
	[tilespmem:$0x8000] =	vst v63  }
0x2c: {  	s23 =	simm.s32 $0x4600;
	s24 =	simm.s32 $0x600  }
0x2d: {  	[tilespmem:s23], [sflag:$0x1] =	stream.indirect.gather [hbm4b:s3+s10], $0x1, s24, s10, $0xb8;
	[tilespmem:$0x8000] =	vst v63  }
0x2e: {  	s25 =	simm.s32 $0x4680;
	s26 =	simm.s32 $0x680  }
0x2f: {  	[tilespmem:s25], [sflag:$0x1] =	stream.indirect.gather [hbm4b:s3+s10], $0x1, s26, s10, $0xb8;
	[tilespmem:$0x8000] =	vst v63  }
0x30: {  	s28 =	simm.s32 $0x4700;
	s29 =	simm.s32 $0x700  }
0x31: {  	[tilespmem:s28], [sflag:$0x1] =	stream.indirect.gather [hbm4b:s3+s10], $0x1, s29, s10, $0xb8;
	[tilespmem:$0x8000] =	vst v63  }
0x32: {  	s30 =	simm.s32 $0x4780;
	s31 =	simm.s32 $0x780  }
0x33: {  	[tilespmem:s30], [sflag:$0x1] =	stream.indirect.gather [hbm4b:s3+s10], $0x1, s31, s10, $0xb8;
	[tilespmem:$0x8000] =	vst v63  }
0x34: {  	_ =	swait.ge [sflag:s13], $0x80  }
0x35: {  	[sflag:s13] =	ssyncset.done $0x0  }
0x36: {  	[sflag:s13] =	ssyncadd.s32 $0xFFFFFF80  }
0x37: {  	_ =	swait.ge [sflag:s13], $0x80  }
0x38: {  	[sflag:s13] =	ssyncset.done $0x0  }
0x39: {  	[sflag:s13] =	ssyncadd.s32 $0xFFFFFF80  }
0x3a: {  	_ =	swait.ge [sflag:s13], $0x80  }
0x3b: {  	[sflag:s13] =	ssyncset.done $0x0  }
0x3c: {  	[sflag:s13] =	ssyncadd.s32 $0xFFFFFF80  }
0x3d: {  	_ =	swait.ge [sflag:s13], $0x80  }
0x3e: {  	[sflag:s13] =	ssyncset.done $0x0  }
0x3f: {  	[sflag:s13] =	ssyncadd.s32 $0xFFFFFF80  }
0x40: {  	_ =	swait.ge [sflag:s13], $0x80  }
0x41: {  	[sflag:s13] =	ssyncset.done $0x0  }
0x42: {  	[sflag:s13] =	ssyncadd.s32 $0xFFFFFF80  }
0x43: {  	_ =	swait.ge [sflag:s13], $0x80  }
0x44: {  	[sflag:s13] =	ssyncset.done $0x0  }
0x45: {  	[sflag:s13] =	ssyncadd.s32 $0xFFFFFF80  }
0x46: {  	_ =	swait.ge [sflag:s13], $0x80  }
0x47: {  	[sflag:s13] =	ssyncset.done $0x0  }
0x48: {  	[sflag:s13] =	ssyncadd.s32 $0xFFFFFF80  }
0x49: {  	_ =	swait.ge [sflag:s13], $0x80  }
0x4a: {  	[sflag:s13] =	ssyncset.done $0x0  }
0x4b: {  	[sflag:s13] =	ssyncadd.s32 $0xFFFFFF80  }
0x4c: {  	_ =	swait.ge [sflag:s13], $0x80  }
0x4d: {  	[sflag:s13] =	ssyncset.done $0x0  }
0x4e: {  	[sflag:s13] =	ssyncadd.s32 $0xFFFFFF80  }
0x4f: {  	_ =	swait.ge [sflag:s13], $0x80  }
0x50: {  	[sflag:s13] =	ssyncset.done $0x0  }
0x51: {  	[sflag:s13] =	ssyncadd.s32 $0xFFFFFF80  }
0x52: {  	_ =	swait.ge [sflag:s13], $0x80  }
0x53: {  	[sflag:s13] =	ssyncset.done $0x0  }
0x54: {  	[sflag:s13] =	ssyncadd.s32 $0xFFFFFF80  }
0x55: {  	_ =	swait.ge [sflag:s13], $0x80  }
0x56: {  	[sflag:s13] =	ssyncset.done $0x0  }
0x57: {  	[sflag:s13] =	ssyncadd.s32 $0xFFFFFF80  }
0x58: {  	_ =	swait.ge [sflag:s13], $0x80  }
0x59: {  	[sflag:s13] =	ssyncset.done $0x0  }
0x5a: {  	[sflag:s13] =	ssyncadd.s32 $0xFFFFFF80  }
0x5b: {  	_ =	swait.ge [sflag:s13], $0x80  }
0x5c: {  	[sflag:s13] =	ssyncset.done $0x0  }
0x5d: {  	[sflag:s13] =	ssyncadd.s32 $0xFFFFFF80  }
0x5e: {  	_ =	swait.ge [sflag:s13], $0x80  }
0x5f: {  	[sflag:s13] =	ssyncset.done $0x0  }
0x60: {  	[sflag:s13] =	ssyncadd.s32 $0xFFFFFF80  }
0x61: {  	_ =	swait.ge [sflag:s13], $0x80  }
0x62: {  	s18 =	simm.s32 $0x800;
	s19 =	simm.s32 $0x4000;
	[sflag:s13] =	ssyncset.done $0x0  }
.LBB2_2:
0x63: {  	s20 =	sadd.s32 $0x4000, s18  }
0x64: {  	[sflag:s13] =	ssyncadd.s32 $0xFFFFFF80;
	s17 =	smov.u32 s19;
	s16 =	sadd.s32 $0x2000, s19  }
0x65: {  	[tilespmem:s20], [sflag:$0x1] =	stream.indirect.gather [hbm4b:s3+s10], $0x1, s18, s10, $0xb8;
	[tilespmem:$0x8000] =	vst v63  }
0x66: {  	p0 =	sne.s32 s19, $0xE000;
	s19 =	sadd.s32 $0x4080, s18;
	s20 =	sadd.s32 $0x80, s18  }
0x67: {  	[tilespmem:s19], [sflag:$0x1] =	stream.indirect.gather [hbm4b:s3+s10], $0x1, s20, s10, $0xb8;
	[tilespmem:$0x8000] =	vst v63  }
0x68: {  	s19 =	sadd.s32 $0x4100, s18;
	s20 =	sadd.s32 $0x100, s18  }
0x69: {  	[tilespmem:s19], [sflag:$0x1] =	stream.indirect.gather [hbm4b:s3+s10], $0x1, s20, s10, $0xb8;
	[tilespmem:$0x8000] =	vst v63  }
0x6a: {  	s19 =	sadd.s32 $0x4180, s18;
	s20 =	sadd.s32 $0x180, s18  }
0x6b: {  	[tilespmem:s19], [sflag:$0x1] =	stream.indirect.gather [hbm4b:s3+s10], $0x1, s20, s10, $0xb8;
	[tilespmem:$0x8000] =	vst v63  }
0x6c: {  	s19 =	sadd.s32 $0x4200, s18;
	s20 =	sadd.s32 $0x200, s18  }
0x6d: {  	[tilespmem:s19], [sflag:$0x1] =	stream.indirect.gather [hbm4b:s3+s10], $0x1, s20, s10, $0xb8;
	[tilespmem:$0x8000] =	vst v63  }
0x6e: {  	s19 =	sadd.s32 $0x4280, s18;
	s20 =	sadd.s32 $0x280, s18  }
0x6f: {  	[tilespmem:s19], [sflag:$0x1] =	stream.indirect.gather [hbm4b:s3+s10], $0x1, s20, s10, $0xb8;
	[tilespmem:$0x8000] =	vst v63  }
0x70: {  	s19 =	sadd.s32 $0x4300, s18;
	s20 =	sadd.s32 $0x300, s18  }
0x71: {  	[tilespmem:s19], [sflag:$0x1] =	stream.indirect.gather [hbm4b:s3+s10], $0x1, s20, s10, $0xb8;
	[tilespmem:$0x8000] =	vst v63  }
0x72: {  	s19 =	sadd.s32 $0x4380, s18;
	s20 =	sadd.s32 $0x380, s18  }
0x73: {  	[tilespmem:s19], [sflag:$0x1] =	stream.indirect.gather [hbm4b:s3+s10], $0x1, s20, s10, $0xb8;
	[tilespmem:$0x8000] =	vst v63  }
0x74: {  	s19 =	sadd.s32 $0x4400, s18;
	s20 =	sadd.s32 $0x400, s18  }
0x75: {  	[tilespmem:s19], [sflag:$0x1] =	stream.indirect.gather [hbm4b:s3+s10], $0x1, s20, s10, $0xb8;
	[tilespmem:$0x8000] =	vst v63  }
0x76: {  	s19 =	sadd.s32 $0x4480, s18;
	s20 =	sadd.s32 $0x480, s18  }
0x77: {  	[tilespmem:s19], [sflag:$0x1] =	stream.indirect.gather [hbm4b:s3+s10], $0x1, s20, s10, $0xb8;
	[tilespmem:$0x8000] =	vst v63  }
0x78: {  	s19 =	sadd.s32 $0x4500, s18;
	s20 =	sadd.s32 $0x500, s18  }
0x79: {  	[tilespmem:s19], [sflag:$0x1] =	stream.indirect.gather [hbm4b:s3+s10], $0x1, s20, s10, $0xb8;
	[tilespmem:$0x8000] =	vst v63  }
0x7a: {  	s19 =	sadd.s32 $0x4580, s18;
	s20 =	sadd.s32 $0x580, s18  }
0x7b: {  	[tilespmem:s19], [sflag:$0x1] =	stream.indirect.gather [hbm4b:s3+s10], $0x1, s20, s10, $0xb8;
	[tilespmem:$0x8000] =	vst v63  }
0x7c: {  	s19 =	sadd.s32 $0x4600, s18;
	s20 =	sadd.s32 $0x600, s18  }
0x7d: {  	[tilespmem:s19], [sflag:$0x1] =	stream.indirect.gather [hbm4b:s3+s10], $0x1, s20, s10, $0xb8;
	[tilespmem:$0x8000] =	vst v63  }
0x7e: {  	s19 =	sadd.s32 $0x4680, s18;
	s20 =	sadd.s32 $0x680, s18  }
0x7f: {  	[tilespmem:s19], [sflag:$0x1] =	stream.indirect.gather [hbm4b:s3+s10], $0x1, s20, s10, $0xb8;
	[tilespmem:$0x8000] =	vst v63  }
0x80: {  	s19 =	sadd.s32 $0x4700, s18;
	s20 =	sadd.s32 $0x700, s18  }
0x81: {  	[tilespmem:s19], [sflag:$0x1] =	stream.indirect.gather [hbm4b:s3+s10], $0x1, s20, s10, $0xb8;
	[tilespmem:$0x8000] =	vst v63  }
0x82: {  	s19 =	sadd.s32 $0x4780, s18;
	s18 =	sadd.s32 $0x780, s18  }
0x83: {  	[tilespmem:s19], [sflag:$0x1] =	stream.indirect.gather [hbm4b:s3+s10], $0x1, s18, s10, $0xb8;
	[tilespmem:$0x8000] =	vst v63  }
0x84: {  	_ =	swait.ge [sflag:s13], $0x80  }
0x85: {  	[sflag:s13] =	ssyncset.done $0x0  }
0x86: {  	[sflag:s13] =	ssyncadd.s32 $0xFFFFFF80  }
0x87: {  	_ =	swait.ge [sflag:s13], $0x80  }
0x88: {  	[sflag:s13] =	ssyncset.done $0x0  }
0x89: {  	[sflag:s13] =	ssyncadd.s32 $0xFFFFFF80  }
0x8a: {  	_ =	swait.ge [sflag:s13], $0x80  }
0x8b: {  	[sflag:s13] =	ssyncset.done $0x0  }
0x8c: {  	[sflag:s13] =	ssyncadd.s32 $0xFFFFFF80  }
0x8d: {  	_ =	swait.ge [sflag:s13], $0x80  }
0x8e: {  	[sflag:s13] =	ssyncset.done $0x0  }
0x8f: {  	[sflag:s13] =	ssyncadd.s32 $0xFFFFFF80  }
0x90: {  	_ =	swait.ge [sflag:s13], $0x80  }
0x91: {  	[sflag:s13] =	ssyncset.done $0x0  }
0x92: {  	[sflag:s13] =	ssyncadd.s32 $0xFFFFFF80  }
0x93: {  	_ =	swait.ge [sflag:s13], $0x80  }
0x94: {  	[sflag:s13] =	ssyncset.done $0x0  }
0x95: {  	[sflag:s13] =	ssyncadd.s32 $0xFFFFFF80  }
0x96: {  	_ =	swait.ge [sflag:s13], $0x80  }
0x97: {  	[sflag:s13] =	ssyncset.done $0x0  }
0x98: {  	[sflag:s13] =	ssyncadd.s32 $0xFFFFFF80  }
0x99: {  	_ =	swait.ge [sflag:s13], $0x80  }
0x9a: {  	[sflag:s13] =	ssyncset.done $0x0  }
0x9b: {  	[sflag:s13] =	ssyncadd.s32 $0xFFFFFF80  }
0x9c: {  	_ =	swait.ge [sflag:s13], $0x80  }
0x9d: {  	[sflag:s13] =	ssyncset.done $0x0  }
0x9e: {  	[sflag:s13] =	ssyncadd.s32 $0xFFFFFF80  }
0x9f: {  	_ =	swait.ge [sflag:s13], $0x80  }
0xa0: {  	[sflag:s13] =	ssyncset.done $0x0  }
0xa1: {  	[sflag:s13] =	ssyncadd.s32 $0xFFFFFF80  }
0xa2: {  	_ =	swait.ge [sflag:s13], $0x80  }
0xa3: {  	[sflag:s13] =	ssyncset.done $0x0  }
0xa4: {  	[sflag:s13] =	ssyncadd.s32 $0xFFFFFF80  }
0xa5: {  	_ =	swait.ge [sflag:s13], $0x80  }
0xa6: {  	[sflag:s13] =	ssyncset.done $0x0  }
0xa7: {  	[sflag:s13] =	ssyncadd.s32 $0xFFFFFF80  }
0xa8: {  	_ =	swait.ge [sflag:s13], $0x80  }
0xa9: {  	[sflag:s13] =	ssyncset.done $0x0  }
0xaa: {  	[sflag:s13] =	ssyncadd.s32 $0xFFFFFF80  }
0xab: {  	_ =	swait.ge [sflag:s13], $0x80  }
0xac: {  	[sflag:s13] =	ssyncset.done $0x0  }
0xad: {  	[sflag:s13] =	ssyncadd.s32 $0xFFFFFF80  }
.Ltmp0:
0xae: {  	_ =	swait.ge [sflag:s13], $0x80;
	(pc) =	sbr.rel @p0 .LBB2_2-.Ltmp0, $4  }
0xaf: {  	[sflag:s13] =	ssyncset.done $0x0  }
0xb0: {  	[sflag:s13] =	ssyncadd.s32 $0xFFFFFF80  }
0xb1: {  	_ =	swait.ge [sflag:s13], $0x80  }
0xb2: {  	s18 =	sshra.s32 s17, $0x2;
	s19 =	smov.u32 s16;
	[sflag:s13] =	ssyncset.done $0x0  }
0xb3: {  	s16 =	sadd.s32 $0x4000, s18;
	[sflag:s13] =	ssyncadd.s32 $0xFFFFFF80  }
0xb4: {  	[tilespmem:s16], [sflag:$0x1] =	stream.indirect.gather [hbm4b:s3+s10], $0x1, s18, s10, $0xb8;
	[tilespmem:$0x8000] =	vst v63  }
0xb5: {  	s31 =	sadd.s32 $0x4080, s18;
	s17 =	sadd.s32 $0x80, s18  }
0xb6: {  	[tilespmem:s31], [sflag:$0x1] =	stream.indirect.gather [hbm4b:s3+s10], $0x1, s17, s10, $0xb8;
	[tilespmem:$0x8000] =	vst v63  }
0xb7: {  	s19 =	sadd.s32 $0x4100, s18;
	s20 =	sadd.s32 $0x100, s18  }
0xb8: {  	[tilespmem:s19], [sflag:$0x1] =	stream.indirect.gather [hbm4b:s3+s10], $0x1, s20, s10, $0xb8;
	[tilespmem:$0x8000] =	vst v63  }
0xb9: {  	s21 =	sadd.s32 $0x4180, s18;
	s22 =	sadd.s32 $0x180, s18  }
0xba: {  	[tilespmem:s21], [sflag:$0x1] =	stream.indirect.gather [hbm4b:s3+s10], $0x1, s22, s10, $0xb8;
	[tilespmem:$0x8000] =	vst v63  }
0xbb: {  	s23 =	sadd.s32 $0x4200, s18;
	s24 =	sadd.s32 $0x200, s18  }
0xbc: {  	[tilespmem:s23], [sflag:$0x1] =	stream.indirect.gather [hbm4b:s3+s10], $0x1, s24, s10, $0xb8;
	[tilespmem:$0x8000] =	vst v63  }
0xbd: {  	s25 =	sadd.s32 $0x4280, s18;
	s26 =	sadd.s32 $0x280, s18  }
0xbe: {  	[tilespmem:s25], [sflag:$0x1] =	stream.indirect.gather [hbm4b:s3+s10], $0x1, s26, s10, $0xb8;
	[tilespmem:$0x8000] =	vst v63  }
0xbf: {  	s28 =	sadd.s32 $0x4300, s18;
	s29 =	sadd.s32 $0x300, s18  }
0xc0: {  	[tilespmem:s28], [sflag:$0x1] =	stream.indirect.gather [hbm4b:s3+s10], $0x1, s29, s10, $0xb8;
	[tilespmem:$0x8000] =	vst v63  }
0xc1: {  	s30 =	sadd.s32 $0x4380, s18;
	s31 =	sadd.s32 $0x380, s18  }
0xc2: {  	[tilespmem:s30], [sflag:$0x1] =	stream.indirect.gather [hbm4b:s3+s10], $0x1, s31, s10, $0xb8;
	[tilespmem:$0x8000] =	vst v63  }
0xc3: {  	s19 =	sadd.s32 $0x4400, s18;
	s20 =	sadd.s32 $0x400, s18  }
0xc4: {  	[tilespmem:s19], [sflag:$0x1] =	stream.indirect.gather [hbm4b:s3+s10], $0x1, s20, s10, $0xb8;
	[tilespmem:$0x8000] =	vst v63  }
0xc5: {  	s21 =	sadd.s32 $0x4480, s18;
	s22 =	sadd.s32 $0x480, s18  }
0xc6: {  	[tilespmem:s21], [sflag:$0x1] =	stream.indirect.gather [hbm4b:s3+s10], $0x1, s22, s10, $0xb8;
	[tilespmem:$0x8000] =	vst v63  }
0xc7: {  	s23 =	sadd.s32 $0x4500, s18;
	s24 =	sadd.s32 $0x500, s18  }
0xc8: {  	[tilespmem:s23], [sflag:$0x1] =	stream.indirect.gather [hbm4b:s3+s10], $0x1, s24, s10, $0xb8;
	[tilespmem:$0x8000] =	vst v63  }
0xc9: {  	s25 =	sadd.s32 $0x4580, s18;
	s26 =	sadd.s32 $0x580, s18  }
0xca: {  	[tilespmem:s25], [sflag:$0x1] =	stream.indirect.gather [hbm4b:s3+s10], $0x1, s26, s10, $0xb8;
	[tilespmem:$0x8000] =	vst v63  }
0xcb: {  	s28 =	sadd.s32 $0x4600, s18;
	s29 =	sadd.s32 $0x600, s18  }
0xcc: {  	[tilespmem:s28], [sflag:$0x1] =	stream.indirect.gather [hbm4b:s3+s10], $0x1, s29, s10, $0xb8;
	[tilespmem:$0x8000] =	vst v63  }
0xcd: {  	s30 =	sadd.s32 $0x4680, s18;
	s31 =	sadd.s32 $0x680, s18  }
0xce: {  	[tilespmem:s30], [sflag:$0x1] =	stream.indirect.gather [hbm4b:s3+s10], $0x1, s31, s10, $0xb8;
	[tilespmem:$0x8000] =	vst v63  }
0xcf: {  	s19 =	sadd.s32 $0x4700, s18;
	s20 =	sadd.s32 $0x700, s18  }
0xd0: {  	[tilespmem:s19], [sflag:$0x1] =	stream.indirect.gather [hbm4b:s3+s10], $0x1, s20, s10, $0xb8;
	[tilespmem:$0x8000] =	vst v63  }
0xd1: {  	s21 =	sadd.s32 $0x4780, s18;
	s22 =	sadd.s32 $0x780, s18  }
0xd2: {  	[tilespmem:s21], [sflag:$0x1] =	stream.indirect.gather [hbm4b:s3+s10], $0x1, s22, s10, $0xb8;
	[tilespmem:$0x8000] =	vst v63  }
0xd3: {  	_ =	swait.ge [sflag:s13], $0x80  }
0xd4: {  	[sflag:s13] =	ssyncset.done $0x0  }
0xd5: {  	[sflag:s13] =	ssyncadd.s32 $0xFFFFFF80  }
0xd6: {  	_ =	swait.ge [sflag:s13], $0x80  }
0xd7: {  	[sflag:s13] =	ssyncset.done $0x0  }
0xd8: {  	[sflag:s13] =	ssyncadd.s32 $0xFFFFFF80  }
0xd9: {  	_ =	swait.ge [sflag:s13], $0x80  }
0xda: {  	[sflag:s13] =	ssyncset.done $0x0  }
0xdb: {  	[sflag:s13] =	ssyncadd.s32 $0xFFFFFF80  }
0xdc: {  	_ =	swait.ge [sflag:s13], $0x80  }
0xdd: {  	[sflag:s13] =	ssyncset.done $0x0  }
0xde: {  	[sflag:s13] =	ssyncadd.s32 $0xFFFFFF80  }
0xdf: {  	_ =	swait.ge [sflag:s13], $0x80  }
0xe0: {  	[sflag:s13] =	ssyncset.done $0x0  }
0xe1: {  	[sflag:s13] =	ssyncadd.s32 $0xFFFFFF80  }
0xe2: {  	_ =	swait.ge [sflag:s13], $0x80  }
0xe3: {  	[sflag:s13] =	ssyncset.done $0x0  }
0xe4: {  	[sflag:s13] =	ssyncadd.s32 $0xFFFFFF80  }
0xe5: {  	_ =	swait.ge [sflag:s13], $0x80  }
0xe6: {  	[sflag:s13] =	ssyncset.done $0x0  }
0xe7: {  	[sflag:s13] =	ssyncadd.s32 $0xFFFFFF80  }
0xe8: {  	_ =	swait.ge [sflag:s13], $0x80  }
0xe9: {  	[sflag:s13] =	ssyncset.done $0x0  }
0xea: {  	[sflag:s13] =	ssyncadd.s32 $0xFFFFFF80  }
0xeb: {  	_ =	swait.ge [sflag:s13], $0x80  }
0xec: {  	[sflag:s13] =	ssyncset.done $0x0  }
0xed: {  	[sflag:s13] =	ssyncadd.s32 $0xFFFFFF80  }
0xee: {  	_ =	swait.ge [sflag:s13], $0x80  }
0xef: {  	[sflag:s13] =	ssyncset.done $0x0  }
0xf0: {  	[sflag:s13] =	ssyncadd.s32 $0xFFFFFF80  }
0xf1: {  	_ =	swait.ge [sflag:s13], $0x80  }
0xf2: {  	[sflag:s13] =	ssyncset.done $0x0  }
0xf3: {  	[sflag:s13] =	ssyncadd.s32 $0xFFFFFF80  }
0xf4: {  	_ =	swait.ge [sflag:s13], $0x80  }
0xf5: {  	[sflag:s13] =	ssyncset.done $0x0  }
0xf6: {  	[sflag:s13] =	ssyncadd.s32 $0xFFFFFF80  }
0xf7: {  	_ =	swait.ge [sflag:s13], $0x80  }
0xf8: {  	[sflag:s13] =	ssyncset.done $0x0  }
0xf9: {  	[sflag:s13] =	ssyncadd.s32 $0xFFFFFF80  }
0xfa: {  	_ =	swait.ge [sflag:s13], $0x80  }
0xfb: {  	[sflag:s13] =	ssyncset.done $0x0  }
0xfc: {  	[sflag:s13] =	ssyncadd.s32 $0xFFFFFF80  }
0xfd: {  	_ =	swait.ge [sflag:s13], $0x80  }
0xfe: {  	[sflag:s13] =	ssyncset.done $0x0  }
0xff: {  	[sflag:s13] =	ssyncadd.s32 $0xFFFFFF80  }
0x100: {  	_ =	swait.ge [sflag:s13], $0x80  }
0x101: {  	[sflag:s13] =	ssyncset.done $0x0  }
0x102: {  	s23 =	sadd.s32 $0x0, s9;
	s24 =	simm.s32 $0x4000;
	[sflag:s13] =	ssyncadd.s32 $0xFFFFFF80  }
0x103: {  	[hbm4b:s23+s1] =	stream.linear.scatter [tilespmem:s24], [sflag:$0x2], $0x200, $0x38;
	[tilespmem:$0x8000] =	vst v63  }
0x104: {  	s25 =	sadd.s32 $0x0, s8;
	s26 =	simm.s32 $0x4200  }
0x105: {  	[hbm4b:s25+s1] =	stream.linear.scatter [tilespmem:s26], [sflag:$0x2], $0x200, $0x38;
	[tilespmem:$0x8000] =	vst v63  }
0x106: {  	s28 =	sadd.s32 $0x0, s7;
	s29 =	simm.s32 $0x4400  }
0x107: {  	[hbm4b:s28+s1] =	stream.linear.scatter [tilespmem:s29], [sflag:$0x2], $0x200, $0x38;
	[tilespmem:$0x8000] =	vst v63  }
0x108: {  	s30 =	sadd.s32 $0x0, s6;
	s31 =	simm.s32 $0x4600  }
0x109: {  	[hbm4b:s30+s1] =	stream.linear.scatter [tilespmem:s31], [sflag:$0x2], $0x200, $0x38;
	[tilespmem:$0x8000] =	vst v63  }
0x10a: {  	_ =	swait.ge [sflag:s14], $0x200  }
0x10b: {  	[sflag:s14] =	ssyncset.done $0x0  }
0x10c: {  	[sflag:s14] =	ssyncadd.s32 $0xFFFFFE00  }
0x10d: {  	_ =	swait.ge [sflag:s14], $0x200  }
0x10e: {  	[sflag:s14] =	ssyncset.done $0x0  }
0x10f: {  	[sflag:s14] =	ssyncadd.s32 $0xFFFFFE00  }
0x110: {  	_ =	swait.ge [sflag:s14], $0x200  }
0x111: {  	[sflag:s14] =	ssyncset.done $0x0  }
0x112: {  	[sflag:s14] =	ssyncadd.s32 $0xFFFFFE00  }
0x113: {  	s16 =	simm.s32 $0x2000;
	s17 =	sadd.s32 $0x2000, s9;
	_ =	swait.ge [sflag:s14], $0x200  }
0x114: {  	s18 =	simm.s32 $0x800;
	s19 =	simm.s32 $0x4000;
	[sflag:s14] =	ssyncset.done $0x0  }
.LBB2_4:
0x115: {  	s20 =	sadd.s32 s19, s9  }
0x116: {  	s21 =	sadd.s32 $0x4000, s18;
	[sflag:s14] =	ssyncadd.s32 $0xFFFFFE00;
	s22 =	smov.u32 s19  }
0x117: {  	[hbm4b:s17+s1] =	stream.linear.scatter [tilespmem:s21], [sflag:$0x2], $0x200, $0x38;
	[tilespmem:$0x8000] =	vst v63  }
0x118: {  	s23 =	sadd.s32 $0x4200, s18;
	s21 =	sadd.s32 $0x2000, s19;
	s17 =	sadd.s32 s16, s8  }
0x119: {  	[hbm4b:s17+s1] =	stream.linear.scatter [tilespmem:s23], [sflag:$0x2], $0x200, $0x38;
	[tilespmem:$0x8000] =	vst v63  }
0x11a: {  	p0 =	sne.s32 s19, $0xE000;
	s19 =	sadd.s32 $0x4400, s18;
	s17 =	sadd.s32 s16, s7  }
0x11b: {  	[hbm4b:s17+s1] =	stream.linear.scatter [tilespmem:s19], [sflag:$0x2], $0x200, $0x38;
	[tilespmem:$0x8000] =	vst v63  }
0x11c: {  	s18 =	sadd.s32 $0x4600, s18;
	s16 =	sadd.s32 s16, s6;
	s17 =	smov.u32 s20  }
0x11d: {  	[hbm4b:s16+s1] =	stream.linear.scatter [tilespmem:s18], [sflag:$0x2], $0x200, $0x38;
	[tilespmem:$0x8000] =	vst v63  }
0x11e: {  	s16 =	smov.u32 s22;
	_ =	swait.ge [sflag:s14], $0x200  }
0x11f: {  	[sflag:s14] =	ssyncset.done $0x0  }
0x120: {  	[sflag:s14] =	ssyncadd.s32 $0xFFFFFE00  }
0x121: {  	_ =	swait.ge [sflag:s14], $0x200  }
0x122: {  	[sflag:s14] =	ssyncset.done $0x0  }
0x123: {  	[sflag:s14] =	ssyncadd.s32 $0xFFFFFE00  }
.Ltmp1:
0x124: {  	_ =	swait.ge [sflag:s14], $0x200;
	(pc) =	sbr.rel @p0 .LBB2_4-.Ltmp1, $4  }
0x125: {  	[sflag:s14] =	ssyncset.done $0x0  }
0x126: {  	[sflag:s14] =	ssyncadd.s32 $0xFFFFFE00  }
0x127: {  	_ =	swait.ge [sflag:s14], $0x200  }
0x128: {  	s19 =	smov.u32 s21;
	s18 =	sshra.s32 s16, $0x2;
	[sflag:s14] =	ssyncset.done $0x0  }
0x129: {  	s19 =	sadd.s32 $0x4000, s18;
	[sflag:s14] =	ssyncadd.s32 $0xFFFFFE00  }
0x12a: {  	[hbm4b:s17+s1] =	stream.linear.scatter [tilespmem:s19], [sflag:$0x2], $0x200, $0x38;
	[tilespmem:$0x8000] =	vst v63  }
0x12b: {  	s25 =	sadd.s32 s16, s8;
	s26 =	sadd.s32 $0x4200, s18  }
0x12c: {  	[hbm4b:s25+s1] =	stream.linear.scatter [tilespmem:s26], [sflag:$0x2], $0x200, $0x38;
	[tilespmem:$0x8000] =	vst v63  }
0x12d: {  	s28 =	sadd.s32 s16, s7;
	s29 =	sadd.s32 $0x4400, s18  }
0x12e: {  	[hbm4b:s28+s1] =	stream.linear.scatter [tilespmem:s29], [sflag:$0x2], $0x200, $0x38;
	[tilespmem:$0x8000] =	vst v63  }
0x12f: {  	s30 =	sadd.s32 s16, s6;
	s31 =	sadd.s32 $0x4600, s18  }
0x130: {  	[hbm4b:s30+s1] =	stream.linear.scatter [tilespmem:s31], [sflag:$0x2], $0x200, $0x38;
	[tilespmem:$0x8000] =	vst v63  }
0x131: {  	_ =	swait.ge [sflag:s14], $0x200  }
0x132: {  	[sflag:s14] =	ssyncset.done $0x0  }
0x133: {  	[sflag:s14] =	ssyncadd.s32 $0xFFFFFE00  }
0x134: {  	_ =	swait.ge [sflag:s14], $0x200  }
0x135: {  	[sflag:s14] =	ssyncset.done $0x0  }
0x136: {  	s15 =	sadd.s32 $0x1, s15;
	[sflag:s14] =	ssyncadd.s32 $0xFFFFFE00  }
0x137: {  	p0 =	sne.s32 s15, s5;
	_ =	swait.ge [sflag:s14], $0x200  }
.Ltmp2:
0x138: {  	[sflag:s14] =	ssyncset.done $0x0;
	(pc) =	sbr.rel @p0 .LBB2_1-.Ltmp2, $4  }
0x139: {  	[sflag:s14] =	ssyncadd.s32 $0xFFFFFE00  }
0x13a: {  	_ =	swait.ge [sflag:s14], $0x200  }
0x13b: {  	[sflag:s14] =	ssyncset.done $0x0  }
0x13c: {  	[sflag:s14] =	ssyncadd.s32 $0xFFFFFE00  }
0x13d: {  	_ =	sfence.sel $0x180000  }
0x13e: {  	[bflag:$0x0] =	sbarrier.arrive $0xFFFF  }
0x13f: {  	p0 =	sne.s32 s2, $0x0;
	_ =	strace $0x90000047  }
0x140: {  	s0 =	sadd.s32 @!p0 $0x100000, s0;
	[bflag:$0x2] =	sbarrier.arrive $0xFFFF  }
0x141: {  	[sflag:s0] =	ssyncadd.tile.s32 @!p0 $0x1;
	_ =	shalt  }
.Lfunc_end2:
_tile_overlayer_lowered:
.L_overlay_start_2:
0x142: {  	(tag) =	ssettag $0x2  }
0x143: {  	s0 =	rddreg [dreg:$0x0];
	s2 =	stileid.u32  }
0x144: {  	s1 =	rddreg [dreg:$0x1];
	p0 =	sne.s32 s2, $0x0  }
0x145: {  	s3 =	rddreg [dreg:$0x2];
	[bflag:$0x3] =	sbarrier.arrive $0xFFFF;
	s2 =	simm.s32 @!p0 $0x1C03  }
0x146: {  	[timem:s3], [sflag:s2] =	dma.local @!p0 [hbm:s0], s1  }
0x147: {  	s0 =	simm.s32 @!p0 $0x3  }
0x148: {  	_ =	swait.ge @!p0 [sflag:s0], s1  }
0x149: {  	s1 =	ssub.s32 @!p0 $0x0, s1;
	[sflag:s0] =	ssyncset.done @!p0 $0x0  }
0x14a: {  	[sflag:s0] =	ssyncadd.s32 @!p0 s1  }
0x14b: {  	[bflag:$0x3] =	sbarrier.arrive $0xFFFF  }
0x14c: {  	_ =	shalt  }

</sc_bundles>
